<compile_context>
chip_gen: v7x
topology: tpu7x:2x2x1
jax: 0.10.2.dev20260603
libtpu: 0.0.44.dev20260713+nightly
codegen_flags: <defaults>
</compile_context>

<pallas_src>
import functools
import jax
import jax.numpy as jnp
from jax import lax
from jax.experimental import pallas as pl
from jax.experimental.pallas import tpu as pltpu
from jax.experimental.pallas import tpu_sc as plsc

VOCAB = 151936
DIM = 1152
B = 8
S = 2048
NTOK = B * S


@functools.lru_cache(maxsize=None)
def _build_gather():
    info = plsc.get_sparse_core_info()
    nc, ns = info.num_cores, info.num_subcores
    nw = nc * ns
    rows_per_w = NTOK // nw
    chunk = 8
    nbuf = 8
    nchunk = rows_per_w // chunk
    nround = nchunk // nbuf

    w_per_b = S // rows_per_w

    mesh = plsc.VectorSubcoreMesh(core_axis_name="c", subcore_axis_name="s")

    @functools.partial(
        pl.kernel,
        mesh=mesh,
        out_type=jax.ShapeDtypeStruct((B, S, DIM), jnp.float32),
        scratch_types=[
            pltpu.VMEM((rows_per_w,), jnp.int32),
        ]
        + [pltpu.VMEM((chunk, DIM), jnp.float32) for _ in range(nbuf)]
        + [pltpu.SemaphoreType.DMA for _ in range(2 * nbuf)],
    )
    def gather(idx_hbm, table_hbm, out_hbm, idx_v, *bufs_and_sems):
        bufs = bufs_and_sems[:nbuf]
        sem_g = bufs_and_sems[nbuf:2 * nbuf]
        sem_o = bufs_and_sems[2 * nbuf:]
        wid = lax.axis_index("s") * nc + lax.axis_index("c")
        brow = wid // w_per_b
        scol = (wid % w_per_b) * rows_per_w
        pltpu.sync_copy(idx_hbm.at[brow, pl.ds(scol, rows_per_w)], idx_v)

        def gather_copy(c, p):
            return pltpu.make_async_copy(
                table_hbm.at[idx_v.at[pl.ds(c * chunk, chunk)]],
                bufs[p], sem_g[p])

        def out_copy(c, p):
            return pltpu.make_async_copy(
                bufs[p], out_hbm.at[brow, pl.ds(scol + c * chunk, chunk)],
                sem_o[p])

        for b in range(nbuf):
            gather_copy(b, b).start()

        def round_body(i, carry):
            g0 = i * nbuf
            for b in range(nbuf):
                c = g0 + b
                gather_copy(c, b).wait()
                out_copy(c, b).start()
                out_copy(c, b).wait()
                gather_copy(c + nbuf, b).start()
            return carry

        lax.fori_loop(0, nround - 1, round_body, 0)

        g0 = (nround - 1) * nbuf
        for b in range(nbuf):
            gather_copy(g0 + b, b).wait()
            out_copy(g0 + b, b).start()
        for b in range(nbuf):
            out_copy(g0 + b, b).wait()

    return gather


def kernel(x, emb_weight):
    return _build_gather()(x.astype(jnp.int32), emb_weight)

# --- scband reference (transcript-rebuilt; emitter-appended) ---
"""Pipeline reference for scband-embedding-47863115547498 (READ-ONLY COPY).

The authoritative reference and input builder live on the scoring server;
editing this copy changes nothing except your own understanding.
"""

import jax, jax.numpy as jnp
import numpy as np

VOCAB = 151936
DIM = 1152
B = 8
S = 2048

def setup_inputs(seed: int = 0) -> dict:
    key = jax.random.key(seed)
    k1, k2 = jax.random.split(key)
    x = jax.random.randint(k1, (B, S), 0, VOCAB, dtype=jnp.int64 if jax.config.jax_enable_x64 else jnp.int32)
    emb_weight = jax.random.normal(k2, (VOCAB, DIM), dtype=jnp.float32)
    return {"x": x, "emb_weight": emb_weight}

def reference(x, emb_weight):
    # nn.Embedding forward: gather rows of the table by index
    out = jnp.take(emb_weight, x, axis=0)
    return out

if __name__ == "__main__":
    import jax
    _d = setup_inputs()
    print(jax.jit(kernel)(*tuple(_d.values())))

</pallas_src>

<mosaic_0001>
#map = affine_map<(d0, d1) -> (0, 0)>
#map1 = affine_map<(d0, d1) -> (0, 0, 0)>
module attributes {stable_mosaic.version = 14 : i64} {
  func.func @gather(%arg0: i32, %arg1: i32, %arg2: memref<8x2048xi32, #tpu.memory_space<hbm>>, %arg3: memref<151936x1152xf32, #tpu.memory_space<hbm>>, %arg4: memref<8x2048x1152xf32, #tpu.memory_space<hbm>>, %arg5: memref<512xi32, #tpu.memory_space<vmem>>, %arg6: memref<8x1152xf32, #tpu.memory_space<vmem>>, %arg7: memref<8x1152xf32, #tpu.memory_space<vmem>>, %arg8: memref<8x1152xf32, #tpu.memory_space<vmem>>, %arg9: memref<8x1152xf32, #tpu.memory_space<vmem>>, %arg10: memref<8x1152xf32, #tpu.memory_space<vmem>>, %arg11: memref<8x1152xf32, #tpu.memory_space<vmem>>, %arg12: memref<8x1152xf32, #tpu.memory_space<vmem>>, %arg13: memref<8x1152xf32, #tpu.memory_space<vmem>>, %arg14: memref<!tpu.dma_semaphore, #tpu.memory_space<semaphore_mem>>, %arg15: memref<!tpu.dma_semaphore, #tpu.memory_space<semaphore_mem>>, %arg16: memref<!tpu.dma_semaphore, #tpu.memory_space<semaphore_mem>>, %arg17: memref<!tpu.dma_semaphore, #tpu.memory_space<semaphore_mem>>, %arg18: memref<!tpu.dma_semaphore, #tpu.memory_space<semaphore_mem>>, %arg19: memref<!tpu.dma_semaphore, #tpu.memory_space<semaphore_mem>>, %arg20: memref<!tpu.dma_semaphore, #tpu.memory_space<semaphore_mem>>, %arg21: memref<!tpu.dma_semaphore, #tpu.memory_space<semaphore_mem>>, %arg22: memref<!tpu.dma_semaphore, #tpu.memory_space<semaphore_mem>>, %arg23: memref<!tpu.dma_semaphore, #tpu.memory_space<semaphore_mem>>, %arg24: memref<!tpu.dma_semaphore, #tpu.memory_space<semaphore_mem>>, %arg25: memref<!tpu.dma_semaphore, #tpu.memory_space<semaphore_mem>>, %arg26: memref<!tpu.dma_semaphore, #tpu.memory_space<semaphore_mem>>, %arg27: memref<!tpu.dma_semaphore, #tpu.memory_space<semaphore_mem>>, %arg28: memref<!tpu.dma_semaphore, #tpu.memory_space<semaphore_mem>>, %arg29: memref<!tpu.dma_semaphore, #tpu.memory_space<semaphore_mem>>) attributes {dimension_semantics = [#tpu.dimension_semantics<core_parallel>, #tpu.dimension_semantics<subcore_parallel>], iteration_bounds = array<i64: 2, 16>, scalar_prefetch = 0 : i64, scratch_operands = 25 : i64, tpu.core_type = #tpu.core_type<sc_vector_subcore>, window_params = [{transform_indices = #map}, {transform_indices = #map}, {transform_indices = #map1}]} {
    %mul3A = arith.constant 2 : i32
    %mul3A_0 = arith.muli %arg1, %mul3A : i32
    %add3A = arith.addi %mul3A_0, %arg0 : i32
    %jit3A = arith.constant 4 : i32
    %div3A = arith.divsi %add3A, %jit3A : i32
    %sign3A = arith.constant 0 : i32
    %sign3A_1 = arith.cmpi sgt, %add3A, %sign3A : i32
    %sign3A_2 = arith.extui %sign3A_1 : i1 to i32
    %sign3A_3 = arith.constant 0 : i32
    %sign3A_4 = arith.cmpi slt, %add3A, %sign3A_3 : i32
    %sign3A_5 = arith.extui %sign3A_4 : i1 to i32
    %sign3A_6 = arith.subi %sign3A_2, %sign3A_5 : i32
    %sign3A_7 = arith.constant 0 : i32
    %sign3A_8 = arith.cmpi sgt, %jit3A, %sign3A_7 : i32
    %sign3A_9 = arith.extui %sign3A_8 : i1 to i32
    %sign3A_10 = arith.constant 0 : i32
    %sign3A_11 = arith.cmpi slt, %jit3A, %sign3A_10 : i32
    %sign3A_12 = arith.extui %sign3A_11 : i1 to i32
    %sign3A_13 = arith.subi %sign3A_9, %sign3A_12 : i32
    %ne3A = arith.cmpi ne, %sign3A_6, %sign3A_13 : i32
    %rem3A = arith.remsi %add3A, %jit3A : i32
    %ne3A_14 = arith.constant 0 : i32
    %ne3A_15 = arith.cmpi ne, %rem3A, %ne3A_14 : i32
    %and3A = arith.andi %ne3A, %ne3A_15 : i1
    %sub3A = arith.constant 1 : i32
    %sub3A_16 = arith.subi %div3A, %sub3A : i32
    %select_n3A = arith.select %and3A, %sub3A_16, %div3A : i32
    %jit3A_17 = arith.constant 4 : i32
    %eq3A = arith.constant 0 : i32
    %eq3A_18 = arith.cmpi eq, %jit3A_17, %eq3A : i32
    %jit3A_19 = arith.constant 1 : i32
    %select_n3A_20 = arith.select %eq3A_18, %jit3A_19, %jit3A_17 : i32
    %rem3A_21 = arith.remsi %add3A, %select_n3A_20 : i32
    %ne3A_22 = arith.constant 0 : i32
    %ne3A_23 = arith.cmpi ne, %rem3A_21, %ne3A_22 : i32
    %lt3A = arith.constant 0 : i32
    %lt3A_24 = arith.cmpi slt, %rem3A_21, %lt3A : i32
    %lt3A_25 = arith.constant 0 : i32
    %lt3A_26 = arith.cmpi slt, %select_n3A_20, %lt3A_25 : i32
    %ne3A_27 = arith.xori %lt3A_24, %lt3A_26 : i1
    %and3A_28 = arith.andi %ne3A_27, %ne3A_23 : i1
    %add3A_29 = arith.addi %rem3A_21, %select_n3A_20 : i32
    %select_n3A_30 = arith.select %and3A_28, %add3A_29, %rem3A_21 : i32
    %mul3A_31 = arith.constant 512 : i32
    %mul3A_32 = arith.muli %select_n3A_30, %mul3A_31 : i32
    "tpu.region"() ({
      %run_scoped3A = tpu.sem_alloc : memref<!tpu.dma_semaphore, #tpu.memory_space<semaphore_mem>>
      %dma_start3A_244 = tpu.memref_slice %arg2[%select_n3A, %mul3A_32] : memref<8x2048xi32, #tpu.memory_space<hbm>> -> memref<1x512xi32, #tpu.memory_space<hbm>>
      %dma_start3A_245 = tpu.memref_squeeze %dma_start3A_244 : memref<1x512xi32, #tpu.memory_space<hbm>> -> memref<512xi32, #tpu.memory_space<hbm>>
      %dma_start3A_246 = tpu.memref_slice %arg2[%select_n3A, %mul3A_32] : memref<8x2048xi32, #tpu.memory_space<hbm>> -> memref<1x512xi32, #tpu.memory_space<hbm>>
      %dma_start3A_247 = tpu.memref_squeeze %dma_start3A_246 : memref<1x512xi32, #tpu.memory_space<hbm>> -> memref<512xi32, #tpu.memory_space<hbm>>
      tpu.enqueue_dma source(%dma_start3A_247 : memref<512xi32, #tpu.memory_space<hbm>>) target(%arg5 : memref<512xi32, #tpu.memory_space<vmem>>) target_semaphore(%run_scoped3A : memref<!tpu.dma_semaphore, #tpu.memory_space<semaphore_mem>>)
      %dma_wait3A_248 = tpu.memref_slice %arg2[%select_n3A, %mul3A_32] : memref<8x2048xi32, #tpu.memory_space<hbm>> -> memref<1x512xi32, #tpu.memory_space<hbm>>
      %dma_wait3A_249 = tpu.memref_squeeze %dma_wait3A_248 : memref<1x512xi32, #tpu.memory_space<hbm>> -> memref<512xi32, #tpu.memory_space<hbm>>
      %dma_wait3A_250 = tpu.memref_slice %arg2[%select_n3A, %mul3A_32] : memref<8x2048xi32, #tpu.memory_space<hbm>> -> memref<1x512xi32, #tpu.memory_space<hbm>>
      %dma_wait3A_251 = tpu.memref_squeeze %dma_wait3A_250 : memref<1x512xi32, #tpu.memory_space<hbm>> -> memref<512xi32, #tpu.memory_space<hbm>>
      tpu.wait_dma2 semaphore(%run_scoped3A : memref<!tpu.dma_semaphore, #tpu.memory_space<semaphore_mem>>) src(%dma_wait3A_251 : memref<512xi32, #tpu.memory_space<hbm>>) dst(%arg5 : memref<512xi32, #tpu.memory_space<vmem>>)
      tpu.yield
    }) : () -> ()
    %dma_start3A = arith.constant 0 : i32
    %dma_start3A_33 = tpu.memref_slice %arg5[%dma_start3A] : memref<512xi32, #tpu.memory_space<vmem>> -> memref<8xi32, #tpu.memory_space<vmem>>
    %dma_start3A_34 = arith.constant 0 : i32
    %dma_start3A_35 = arith.constant 0 : i32
    %dma_start3A_36 = tpu.memref_slice %arg3[%dma_start3A_34, %dma_start3A_35] : memref<151936x1152xf32, #tpu.memory_space<hbm>> -> memref<151936x1152xf32, #tpu.memory_space<hbm>>
    tpu.enqueue_indirect_dma source(%dma_start3A_36 : memref<151936x1152xf32, #tpu.memory_space<hbm>>) target(%arg6 : memref<8x1152xf32, #tpu.memory_space<vmem>>) offsets(%dma_start3A_33 : memref<8xi32, #tpu.memory_space<vmem>>) semaphore(%arg14 : memref<!tpu.dma_semaphore, #tpu.memory_space<semaphore_mem>>)
    %dma_start3A_37 = arith.constant 8 : i32
    %dma_start3A_38 = tpu.memref_slice %arg5[%dma_start3A_37] : memref<512xi32, #tpu.memory_space<vmem>> -> memref<8xi32, #tpu.memory_space<vmem>>
    %dma_start3A_39 = arith.constant 0 : i32
    %dma_start3A_40 = arith.constant 0 : i32
    %dma_start3A_41 = tpu.memref_slice %arg3[%dma_start3A_39, %dma_start3A_40] : memref<151936x1152xf32, #tpu.memory_space<hbm>> -> memref<151936x1152xf32, #tpu.memory_space<hbm>>
    tpu.enqueue_indirect_dma source(%dma_start3A_41 : memref<151936x1152xf32, #tpu.memory_space<hbm>>) target(%arg7 : memref<8x1152xf32, #tpu.memory_space<vmem>>) offsets(%dma_start3A_38 : memref<8xi32, #tpu.memory_space<vmem>>) semaphore(%arg15 : memref<!tpu.dma_semaphore, #tpu.memory_space<semaphore_mem>>)
    %dma_start3A_42 = arith.constant 16 : i32
    %dma_start3A_43 = tpu.memref_slice %arg5[%dma_start3A_42] : memref<512xi32, #tpu.memory_space<vmem>> -> memref<8xi32, #tpu.memory_space<vmem>>
    %dma_start3A_44 = arith.constant 0 : i32
    %dma_start3A_45 = arith.constant 0 : i32
    %dma_start3A_46 = tpu.memref_slice %arg3[%dma_start3A_44, %dma_start3A_45] : memref<151936x1152xf32, #tpu.memory_space<hbm>> -> memref<151936x1152xf32, #tpu.memory_space<hbm>>
    tpu.enqueue_indirect_dma source(%dma_start3A_46 : memref<151936x1152xf32, #tpu.memory_space<hbm>>) target(%arg8 : memref<8x1152xf32, #tpu.memory_space<vmem>>) offsets(%dma_start3A_43 : memref<8xi32, #tpu.memory_space<vmem>>) semaphore(%arg16 : memref<!tpu.dma_semaphore, #tpu.memory_space<semaphore_mem>>)
    %dma_start3A_47 = arith.constant 24 : i32
    %dma_start3A_48 = tpu.memref_slice %arg5[%dma_start3A_47] : memref<512xi32, #tpu.memory_space<vmem>> -> memref<8xi32, #tpu.memory_space<vmem>>
    %dma_start3A_49 = arith.constant 0 : i32
    %dma_start3A_50 = arith.constant 0 : i32
    %dma_start3A_51 = tpu.memref_slice %arg3[%dma_start3A_49, %dma_start3A_50] : memref<151936x1152xf32, #tpu.memory_space<hbm>> -> memref<151936x1152xf32, #tpu.memory_space<hbm>>
    tpu.enqueue_indirect_dma source(%dma_start3A_51 : memref<151936x1152xf32, #tpu.memory_space<hbm>>) target(%arg9 : memref<8x1152xf32, #tpu.memory_space<vmem>>) offsets(%dma_start3A_48 : memref<8xi32, #tpu.memory_space<vmem>>) semaphore(%arg17 : memref<!tpu.dma_semaphore, #tpu.memory_space<semaphore_mem>>)
    %dma_start3A_52 = arith.constant 32 : i32
    %dma_start3A_53 = tpu.memref_slice %arg5[%dma_start3A_52] : memref<512xi32, #tpu.memory_space<vmem>> -> memref<8xi32, #tpu.memory_space<vmem>>
    %dma_start3A_54 = arith.constant 0 : i32
    %dma_start3A_55 = arith.constant 0 : i32
    %dma_start3A_56 = tpu.memref_slice %arg3[%dma_start3A_54, %dma_start3A_55] : memref<151936x1152xf32, #tpu.memory_space<hbm>> -> memref<151936x1152xf32, #tpu.memory_space<hbm>>
    tpu.enqueue_indirect_dma source(%dma_start3A_56 : memref<151936x1152xf32, #tpu.memory_space<hbm>>) target(%arg10 : memref<8x1152xf32, #tpu.memory_space<vmem>>) offsets(%dma_start3A_53 : memref<8xi32, #tpu.memory_space<vmem>>) semaphore(%arg18 : memref<!tpu.dma_semaphore, #tpu.memory_space<semaphore_mem>>)
    %dma_start3A_57 = arith.constant 40 : i32
    %dma_start3A_58 = tpu.memref_slice %arg5[%dma_start3A_57] : memref<512xi32, #tpu.memory_space<vmem>> -> memref<8xi32, #tpu.memory_space<vmem>>
    %dma_start3A_59 = arith.constant 0 : i32
    %dma_start3A_60 = arith.constant 0 : i32
    %dma_start3A_61 = tpu.memref_slice %arg3[%dma_start3A_59, %dma_start3A_60] : memref<151936x1152xf32, #tpu.memory_space<hbm>> -> memref<151936x1152xf32, #tpu.memory_space<hbm>>
    tpu.enqueue_indirect_dma source(%dma_start3A_61 : memref<151936x1152xf32, #tpu.memory_space<hbm>>) target(%arg11 : memref<8x1152xf32, #tpu.memory_space<vmem>>) offsets(%dma_start3A_58 : memref<8xi32, #tpu.memory_space<vmem>>) semaphore(%arg19 : memref<!tpu.dma_semaphore, #tpu.memory_space<semaphore_mem>>)
    %dma_start3A_62 = arith.constant 48 : i32
    %dma_start3A_63 = tpu.memref_slice %arg5[%dma_start3A_62] : memref<512xi32, #tpu.memory_space<vmem>> -> memref<8xi32, #tpu.memory_space<vmem>>
    %dma_start3A_64 = arith.constant 0 : i32
    %dma_start3A_65 = arith.constant 0 : i32
    %dma_start3A_66 = tpu.memref_slice %arg3[%dma_start3A_64, %dma_start3A_65] : memref<151936x1152xf32, #tpu.memory_space<hbm>> -> memref<151936x1152xf32, #tpu.memory_space<hbm>>
    tpu.enqueue_indirect_dma source(%dma_start3A_66 : memref<151936x1152xf32, #tpu.memory_space<hbm>>) target(%arg12 : memref<8x1152xf32, #tpu.memory_space<vmem>>) offsets(%dma_start3A_63 : memref<8xi32, #tpu.memory_space<vmem>>) semaphore(%arg20 : memref<!tpu.dma_semaphore, #tpu.memory_space<semaphore_mem>>)
    %dma_start3A_67 = arith.constant 56 : i32
    %dma_start3A_68 = tpu.memref_slice %arg5[%dma_start3A_67] : memref<512xi32, #tpu.memory_space<vmem>> -> memref<8xi32, #tpu.memory_space<vmem>>
    %dma_start3A_69 = arith.constant 0 : i32
    %dma_start3A_70 = arith.constant 0 : i32
    %dma_start3A_71 = tpu.memref_slice %arg3[%dma_start3A_69, %dma_start3A_70] : memref<151936x1152xf32, #tpu.memory_space<hbm>> -> memref<151936x1152xf32, #tpu.memory_space<hbm>>
    tpu.enqueue_indirect_dma source(%dma_start3A_71 : memref<151936x1152xf32, #tpu.memory_space<hbm>>) target(%arg13 : memref<8x1152xf32, #tpu.memory_space<vmem>>) offsets(%dma_start3A_68 : memref<8xi32, #tpu.memory_space<vmem>>) semaphore(%arg21 : memref<!tpu.dma_semaphore, #tpu.memory_space<semaphore_mem>>)
    %scan3A = arith.constant 0 : i32
    %scan3A_72 = arith.constant 0 : i32
    %scan3A_73 = arith.constant 7 : i32
    %scan3A_74 = arith.addi %scan3A_72, %scan3A_73 : i32
    %scan3A_75 = arith.constant 1 : i32
    scf.for %scan3A_244 = %scan3A_72 to %scan3A_74 step %scan3A_75  : i32 {
      %mul3A_245 = arith.constant 8 : i32
      %mul3A_246 = arith.muli %scan3A_244, %mul3A_245 : i32
      %add3A_247 = arith.constant 0 : i32
      %add3A_248 = arith.addi %mul3A_246, %add3A_247 : i32
      %mul3A_249 = arith.constant 8 : i32
      %mul3A_250 = arith.muli %add3A_248, %mul3A_249 : i32
      %dma_wait3A_251 = tpu.memref_slice %arg5[%mul3A_250] : memref<512xi32, #tpu.memory_space<vmem>> -> memref<8xi32, #tpu.memory_space<vmem>>
      %dma_wait3A_252 = arith.constant 0 : i32
      %dma_wait3A_253 = arith.constant 0 : i32
      %dma_wait3A_254 = tpu.memref_slice %arg3[%dma_wait3A_252, %dma_wait3A_253] : memref<151936x1152xf32, #tpu.memory_space<hbm>> -> memref<151936x1152xf32, #tpu.memory_space<hbm>>
      tpu.wait_indirect_dma semaphore(%arg14 : memref<!tpu.dma_semaphore, #tpu.memory_space<semaphore_mem>>) src(%dma_wait3A_254 : memref<151936x1152xf32, #tpu.memory_space<hbm>>) dst(%arg6 : memref<8x1152xf32, #tpu.memory_space<vmem>>)
      %mul3A_255 = arith.constant 8 : i32
      %mul3A_256 = arith.muli %add3A_248, %mul3A_255 : i32
      %add3A_257 = arith.addi %mul3A_32, %mul3A_256 : i32
      %dma_start3A_258 = arith.constant 0 : i32
      %dma_start3A_259 = tpu.memref_slice %arg4[%select_n3A, %add3A_257, %dma_start3A_258] : memref<8x2048x1152xf32, #tpu.memory_space<hbm>> -> memref<1x8x1152xf32, #tpu.memory_space<hbm>>
      %dma_start3A_260 = tpu.memref_squeeze %dma_start3A_259 : memref<1x8x1152xf32, #tpu.memory_space<hbm>> -> memref<8x1152xf32, #tpu.memory_space<hbm>>
      %dma_start3A_261 = arith.constant 0 : i32
      %dma_start3A_262 = tpu.memref_slice %arg4[%select_n3A, %add3A_257, %dma_start3A_261] : memref<8x2048x1152xf32, #tpu.memory_space<hbm>> -> memref<1x8x1152xf32, #tpu.memory_space<hbm>>
      %dma_start3A_263 = tpu.memref_squeeze %dma_start3A_262 : memref<1x8x1152xf32, #tpu.memory_space<hbm>> -> memref<8x1152xf32, #tpu.memory_space<hbm>>
      tpu.enqueue_dma source(%arg6 : memref<8x1152xf32, #tpu.memory_space<vmem>>) target(%dma_start3A_263 : memref<8x1152xf32, #tpu.memory_space<hbm>>) target_semaphore(%arg22 : memref<!tpu.dma_semaphore, #tpu.memory_space<semaphore_mem>>)
      %mul3A_264 = arith.constant 8 : i32
      %mul3A_265 = arith.muli %add3A_248, %mul3A_264 : i32
      %add3A_266 = arith.addi %mul3A_32, %mul3A_265 : i32
      %dma_wait3A_267 = arith.constant 0 : i32
      %dma_wait3A_268 = tpu.memref_slice %arg4[%select_n3A, %add3A_266, %dma_wait3A_267] : memref<8x2048x1152xf32, #tpu.memory_space<hbm>> -> memref<1x8x1152xf32, #tpu.memory_space<hbm>>
      %dma_wait3A_269 = tpu.memref_squeeze %dma_wait3A_268 : memref<1x8x1152xf32, #tpu.memory_space<hbm>> -> memref<8x1152xf32, #tpu.memory_space<hbm>>
      %dma_wait3A_270 = arith.constant 0 : i32
      %dma_wait3A_271 = tpu.memref_slice %arg4[%select_n3A, %add3A_266, %dma_wait3A_270] : memref<8x2048x1152xf32, #tpu.memory_space<hbm>> -> memref<1x8x1152xf32, #tpu.memory_space<hbm>>
      %dma_wait3A_272 = tpu.memref_squeeze %dma_wait3A_271 : memref<1x8x1152xf32, #tpu.memory_space<hbm>> -> memref<8x1152xf32, #tpu.memory_space<hbm>>
      tpu.wait_dma2 semaphore(%arg22 : memref<!tpu.dma_semaphore, #tpu.memory_space<semaphore_mem>>) src(%arg6 : memref<8x1152xf32, #tpu.memory_space<vmem>>) dst(%dma_wait3A_272 : memref<8x1152xf32, #tpu.memory_space<hbm>>)
      %add3A_273 = arith.constant 8 : i32
      %add3A_274 = arith.addi %add3A_248, %add3A_273 : i32
      %mul3A_275 = arith.constant 8 : i32
      %mul3A_276 = arith.muli %add3A_274, %mul3A_275 : i32
      %dma_start3A_277 = tpu.memref_slice %arg5[%mul3A_276] : memref<512xi32, #tpu.memory_space<vmem>> -> memref<8xi32, #tpu.memory_space<vmem>>
      %dma_start3A_278 = arith.constant 0 : i32
      %dma_start3A_279 = arith.constant 0 : i32
      %dma_start3A_280 = tpu.memref_slice %arg3[%dma_start3A_278, %dma_start3A_279] : memref<151936x1152xf32, #tpu.memory_space<hbm>> -> memref<151936x1152xf32, #tpu.memory_space<hbm>>
      tpu.enqueue_indirect_dma source(%dma_start3A_280 : memref<151936x1152xf32, #tpu.memory_space<hbm>>) target(%arg6 : memref<8x1152xf32, #tpu.memory_space<vmem>>) offsets(%dma_start3A_277 : memref<8xi32, #tpu.memory_space<vmem>>) semaphore(%arg14 : memref<!tpu.dma_semaphore, #tpu.memory_space<semaphore_mem>>)
      %add3A_281 = arith.constant 1 : i32
      %add3A_282 = arith.addi %mul3A_246, %add3A_281 : i32
      %mul3A_283 = arith.constant 8 : i32
      %mul3A_284 = arith.muli %add3A_282, %mul3A_283 : i32
      %dma_wait3A_285 = tpu.memref_slice %arg5[%mul3A_284] : memref<512xi32, #tpu.memory_space<vmem>> -> memref<8xi32, #tpu.memory_space<vmem>>
      %dma_wait3A_286 = arith.constant 0 : i32
      %dma_wait3A_287 = arith.constant 0 : i32
      %dma_wait3A_288 = tpu.memref_slice %arg3[%dma_wait3A_286, %dma_wait3A_287] : memref<151936x1152xf32, #tpu.memory_space<hbm>> -> memref<151936x1152xf32, #tpu.memory_space<hbm>>
      tpu.wait_indirect_dma semaphore(%arg15 : memref<!tpu.dma_semaphore, #tpu.memory_space<semaphore_mem>>) src(%dma_wait3A_288 : memref<151936x1152xf32, #tpu.memory_space<hbm>>) dst(%arg7 : memref<8x1152xf32, #tpu.memory_space<vmem>>)
      %mul3A_289 = arith.constant 8 : i32
      %mul3A_290 = arith.muli %add3A_282, %mul3A_289 : i32
      %add3A_291 = arith.addi %mul3A_32, %mul3A_290 : i32
      %dma_start3A_292 = arith.constant 0 : i32
      %dma_start3A_293 = tpu.memref_slice %arg4[%select_n3A, %add3A_291, %dma_start3A_292] : memref<8x2048x1152xf32, #tpu.memory_space<hbm>> -> memref<1x8x1152xf32, #tpu.memory_space<hbm>>
      %dma_start3A_294 = tpu.memref_squeeze %dma_start3A_293 : memref<1x8x1152xf32, #tpu.memory_space<hbm>> -> memref<8x1152xf32, #tpu.memory_space<hbm>>
      %dma_start3A_295 = arith.constant 0 : i32
      %dma_start3A_296 = tpu.memref_slice %arg4[%select_n3A, %add3A_291, %dma_start3A_295] : memref<8x2048x1152xf32, #tpu.memory_space<hbm>> -> memref<1x8x1152xf32, #tpu.memory_space<hbm>>
      %dma_start3A_297 = tpu.memref_squeeze %dma_start3A_296 : memref<1x8x1152xf32, #tpu.memory_space<hbm>> -> memref<8x1152xf32, #tpu.memory_space<hbm>>
      tpu.enqueue_dma source(%arg7 : memref<8x1152xf32, #tpu.memory_space<vmem>>) target(%dma_start3A_297 : memref<8x1152xf32, #tpu.memory_space<hbm>>) target_semaphore(%arg23 : memref<!tpu.dma_semaphore, #tpu.memory_space<semaphore_mem>>)
      %mul3A_298 = arith.constant 8 : i32
      %mul3A_299 = arith.muli %add3A_282, %mul3A_298 : i32
      %add3A_300 = arith.addi %mul3A_32, %mul3A_299 : i32
      %dma_wait3A_301 = arith.constant 0 : i32
      %dma_wait3A_302 = tpu.memref_slice %arg4[%select_n3A, %add3A_300, %dma_wait3A_301] : memref<8x2048x1152xf32, #tpu.memory_space<hbm>> -> memref<1x8x1152xf32, #tpu.memory_space<hbm>>
      %dma_wait3A_303 = tpu.memref_squeeze %dma_wait3A_302 : memref<1x8x1152xf32, #tpu.memory_space<hbm>> -> memref<8x1152xf32, #tpu.memory_space<hbm>>
      %dma_wait3A_304 = arith.constant 0 : i32
      %dma_wait3A_305 = tpu.memref_slice %arg4[%select_n3A, %add3A_300, %dma_wait3A_304] : memref<8x2048x1152xf32, #tpu.memory_space<hbm>> -> memref<1x8x1152xf32, #tpu.memory_space<hbm>>
      %dma_wait3A_306 = tpu.memref_squeeze %dma_wait3A_305 : memref<1x8x1152xf32, #tpu.memory_space<hbm>> -> memref<8x1152xf32, #tpu.memory_space<hbm>>
      tpu.wait_dma2 semaphore(%arg23 : memref<!tpu.dma_semaphore, #tpu.memory_space<semaphore_mem>>) src(%arg7 : memref<8x1152xf32, #tpu.memory_space<vmem>>) dst(%dma_wait3A_306 : memref<8x1152xf32, #tpu.memory_space<hbm>>)
      %add3A_307 = arith.constant 8 : i32
      %add3A_308 = arith.addi %add3A_282, %add3A_307 : i32
      %mul3A_309 = arith.constant 8 : i32
      %mul3A_310 = arith.muli %add3A_308, %mul3A_309 : i32
      %dma_start3A_311 = tpu.memref_slice %arg5[%mul3A_310] : memref<512xi32, #tpu.memory_space<vmem>> -> memref<8xi32, #tpu.memory_space<vmem>>
      %dma_start3A_312 = arith.constant 0 : i32
      %dma_start3A_313 = arith.constant 0 : i32
      %dma_start3A_314 = tpu.memref_slice %arg3[%dma_start3A_312, %dma_start3A_313] : memref<151936x1152xf32, #tpu.memory_space<hbm>> -> memref<151936x1152xf32, #tpu.memory_space<hbm>>
      tpu.enqueue_indirect_dma source(%dma_start3A_314 : memref<151936x1152xf32, #tpu.memory_space<hbm>>) target(%arg7 : memref<8x1152xf32, #tpu.memory_space<vmem>>) offsets(%dma_start3A_311 : memref<8xi32, #tpu.memory_space<vmem>>) semaphore(%arg15 : memref<!tpu.dma_semaphore, #tpu.memory_space<semaphore_mem>>)
      %add3A_315 = arith.constant 2 : i32
      %add3A_316 = arith.addi %mul3A_246, %add3A_315 : i32
      %mul3A_317 = arith.constant 8 : i32
      %mul3A_318 = arith.muli %add3A_316, %mul3A_317 : i32
      %dma_wait3A_319 = tpu.memref_slice %arg5[%mul3A_318] : memref<512xi32, #tpu.memory_space<vmem>> -> memref<8xi32, #tpu.memory_space<vmem>>
      %dma_wait3A_320 = arith.constant 0 : i32
      %dma_wait3A_321 = arith.constant 0 : i32
      %dma_wait3A_322 = tpu.memref_slice %arg3[%dma_wait3A_320, %dma_wait3A_321] : memref<151936x1152xf32, #tpu.memory_space<hbm>> -> memref<151936x1152xf32, #tpu.memory_space<hbm>>
      tpu.wait_indirect_dma semaphore(%arg16 : memref<!tpu.dma_semaphore, #tpu.memory_space<semaphore_mem>>) src(%dma_wait3A_322 : memref<151936x1152xf32, #tpu.memory_space<hbm>>) dst(%arg8 : memref<8x1152xf32, #tpu.memory_space<vmem>>)
      %mul3A_323 = arith.constant 8 : i32
      %mul3A_324 = arith.muli %add3A_316, %mul3A_323 : i32
      %add3A_325 = arith.addi %mul3A_32, %mul3A_324 : i32
      %dma_start3A_326 = arith.constant 0 : i32
      %dma_start3A_327 = tpu.memref_slice %arg4[%select_n3A, %add3A_325, %dma_start3A_326] : memref<8x2048x1152xf32, #tpu.memory_space<hbm>> -> memref<1x8x1152xf32, #tpu.memory_space<hbm>>
      %dma_start3A_328 = tpu.memref_squeeze %dma_start3A_327 : memref<1x8x1152xf32, #tpu.memory_space<hbm>> -> memref<8x1152xf32, #tpu.memory_space<hbm>>
      %dma_start3A_329 = arith.constant 0 : i32
      %dma_start3A_330 = tpu.memref_slice %arg4[%select_n3A, %add3A_325, %dma_start3A_329] : memref<8x2048x1152xf32, #tpu.memory_space<hbm>> -> memref<1x8x1152xf32, #tpu.memory_space<hbm>>
      %dma_start3A_331 = tpu.memref_squeeze %dma_start3A_330 : memref<1x8x1152xf32, #tpu.memory_space<hbm>> -> memref<8x1152xf32, #tpu.memory_space<hbm>>
      tpu.enqueue_dma source(%arg8 : memref<8x1152xf32, #tpu.memory_space<vmem>>) target(%dma_start3A_331 : memref<8x1152xf32, #tpu.memory_space<hbm>>) target_semaphore(%arg24 : memref<!tpu.dma_semaphore, #tpu.memory_space<semaphore_mem>>)
      %mul3A_332 = arith.constant 8 : i32
      %mul3A_333 = arith.muli %add3A_316, %mul3A_332 : i32
      %add3A_334 = arith.addi %mul3A_32, %mul3A_333 : i32
      %dma_wait3A_335 = arith.constant 0 : i32
      %dma_wait3A_336 = tpu.memref_slice %arg4[%select_n3A, %add3A_334, %dma_wait3A_335] : memref<8x2048x1152xf32, #tpu.memory_space<hbm>> -> memref<1x8x1152xf32, #tpu.memory_space<hbm>>
      %dma_wait3A_337 = tpu.memref_squeeze %dma_wait3A_336 : memref<1x8x1152xf32, #tpu.memory_space<hbm>> -> memref<8x1152xf32, #tpu.memory_space<hbm>>
      %dma_wait3A_338 = arith.constant 0 : i32
      %dma_wait3A_339 = tpu.memref_slice %arg4[%select_n3A, %add3A_334, %dma_wait3A_338] : memref<8x2048x1152xf32, #tpu.memory_space<hbm>> -> memref<1x8x1152xf32, #tpu.memory_space<hbm>>
      %dma_wait3A_340 = tpu.memref_squeeze %dma_wait3A_339 : memref<1x8x1152xf32, #tpu.memory_space<hbm>> -> memref<8x1152xf32, #tpu.memory_space<hbm>>
      tpu.wait_dma2 semaphore(%arg24 : memref<!tpu.dma_semaphore, #tpu.memory_space<semaphore_mem>>) src(%arg8 : memref<8x1152xf32, #tpu.memory_space<vmem>>) dst(%dma_wait3A_340 : memref<8x1152xf32, #tpu.memory_space<hbm>>)
      %add3A_341 = arith.constant 8 : i32
      %add3A_342 = arith.addi %add3A_316, %add3A_341 : i32
      %mul3A_343 = arith.constant 8 : i32
      %mul3A_344 = arith.muli %add3A_342, %mul3A_343 : i32
      %dma_start3A_345 = tpu.memref_slice %arg5[%mul3A_344] : memref<512xi32, #tpu.memory_space<vmem>> -> memref<8xi32, #tpu.memory_space<vmem>>
      %dma_start3A_346 = arith.constant 0 : i32
      %dma_start3A_347 = arith.constant 0 : i32
      %dma_start3A_348 = tpu.memref_slice %arg3[%dma_start3A_346, %dma_start3A_347] : memref<151936x1152xf32, #tpu.memory_space<hbm>> -> memref<151936x1152xf32, #tpu.memory_space<hbm>>
      tpu.enqueue_indirect_dma source(%dma_start3A_348 : memref<151936x1152xf32, #tpu.memory_space<hbm>>) target(%arg8 : memref<8x1152xf32, #tpu.memory_space<vmem>>) offsets(%dma_start3A_345 : memref<8xi32, #tpu.memory_space<vmem>>) semaphore(%arg16 : memref<!tpu.dma_semaphore, #tpu.memory_space<semaphore_mem>>)
      %add3A_349 = arith.constant 3 : i32
      %add3A_350 = arith.addi %mul3A_246, %add3A_349 : i32
      %mul3A_351 = arith.constant 8 : i32
      %mul3A_352 = arith.muli %add3A_350, %mul3A_351 : i32
      %dma_wait3A_353 = tpu.memref_slice %arg5[%mul3A_352] : memref<512xi32, #tpu.memory_space<vmem>> -> memref<8xi32, #tpu.memory_space<vmem>>
      %dma_wait3A_354 = arith.constant 0 : i32
      %dma_wait3A_355 = arith.constant 0 : i32
      %dma_wait3A_356 = tpu.memref_slice %arg3[%dma_wait3A_354, %dma_wait3A_355] : memref<151936x1152xf32, #tpu.memory_space<hbm>> -> memref<151936x1152xf32, #tpu.memory_space<hbm>>
      tpu.wait_indirect_dma semaphore(%arg17 : memref<!tpu.dma_semaphore, #tpu.memory_space<semaphore_mem>>) src(%dma_wait3A_356 : memref<151936x1152xf32, #tpu.memory_space<hbm>>) dst(%arg9 : memref<8x1152xf32, #tpu.memory_space<vmem>>)
      %mul3A_357 = arith.constant 8 : i32
      %mul3A_358 = arith.muli %add3A_350, %mul3A_357 : i32
      %add3A_359 = arith.addi %mul3A_32, %mul3A_358 : i32
      %dma_start3A_360 = arith.constant 0 : i32
      %dma_start3A_361 = tpu.memref_slice %arg4[%select_n3A, %add3A_359, %dma_start3A_360] : memref<8x2048x1152xf32, #tpu.memory_space<hbm>> -> memref<1x8x1152xf32, #tpu.memory_space<hbm>>
      %dma_start3A_362 = tpu.memref_squeeze %dma_start3A_361 : memref<1x8x1152xf32, #tpu.memory_space<hbm>> -> memref<8x1152xf32, #tpu.memory_space<hbm>>
      %dma_start3A_363 = arith.constant 0 : i32
      %dma_start3A_364 = tpu.memref_slice %arg4[%select_n3A, %add3A_359, %dma_start3A_363] : memref<8x2048x1152xf32, #tpu.memory_space<hbm>> -> memref<1x8x1152xf32, #tpu.memory_space<hbm>>
      %dma_start3A_365 = tpu.memref_squeeze %dma_start3A_364 : memref<1x8x1152xf32, #tpu.memory_space<hbm>> -> memref<8x1152xf32, #tpu.memory_space<hbm>>
      tpu.enqueue_dma source(%arg9 : memref<8x1152xf32, #tpu.memory_space<vmem>>) target(%dma_start3A_365 : memref<8x1152xf32, #tpu.memory_space<hbm>>) target_semaphore(%arg25 : memref<!tpu.dma_semaphore, #tpu.memory_space<semaphore_mem>>)
      %mul3A_366 = arith.constant 8 : i32
      %mul3A_367 = arith.muli %add3A_350, %mul3A_366 : i32
      %add3A_368 = arith.addi %mul3A_32, %mul3A_367 : i32
      %dma_wait3A_369 = arith.constant 0 : i32
      %dma_wait3A_370 = tpu.memref_slice %arg4[%select_n3A, %add3A_368, %dma_wait3A_369] : memref<8x2048x1152xf32, #tpu.memory_space<hbm>> -> memref<1x8x1152xf32, #tpu.memory_space<hbm>>
      %dma_wait3A_371 = tpu.memref_squeeze %dma_wait3A_370 : memref<1x8x1152xf32, #tpu.memory_space<hbm>> -> memref<8x1152xf32, #tpu.memory_space<hbm>>
      %dma_wait3A_372 = arith.constant 0 : i32
      %dma_wait3A_373 = tpu.memref_slice %arg4[%select_n3A, %add3A_368, %dma_wait3A_372] : memref<8x2048x1152xf32, #tpu.memory_space<hbm>> -> memref<1x8x1152xf32, #tpu.memory_space<hbm>>
      %dma_wait3A_374 = tpu.memref_squeeze %dma_wait3A_373 : memref<1x8x1152xf32, #tpu.memory_space<hbm>> -> memref<8x1152xf32, #tpu.memory_space<hbm>>
      tpu.wait_dma2 semaphore(%arg25 : memref<!tpu.dma_semaphore, #tpu.memory_space<semaphore_mem>>) src(%arg9 : memref<8x1152xf32, #tpu.memory_space<vmem>>) dst(%dma_wait3A_374 : memref<8x1152xf32, #tpu.memory_space<hbm>>)
      %add3A_375 = arith.constant 8 : i32
      %add3A_376 = arith.addi %add3A_350, %add3A_375 : i32
      %mul3A_377 = arith.constant 8 : i32
      %mul3A_378 = arith.muli %add3A_376, %mul3A_377 : i32
      %dma_start3A_379 = tpu.memref_slice %arg5[%mul3A_378] : memref<512xi32, #tpu.memory_space<vmem>> -> memref<8xi32, #tpu.memory_space<vmem>>
      %dma_start3A_380 = arith.constant 0 : i32
      %dma_start3A_381 = arith.constant 0 : i32
      %dma_start3A_382 = tpu.memref_slice %arg3[%dma_start3A_380, %dma_start3A_381] : memref<151936x1152xf32, #tpu.memory_space<hbm>> -> memref<151936x1152xf32, #tpu.memory_space<hbm>>
      tpu.enqueue_indirect_dma source(%dma_start3A_382 : memref<151936x1152xf32, #tpu.memory_space<hbm>>) target(%arg9 : memref<8x1152xf32, #tpu.memory_space<vmem>>) offsets(%dma_start3A_379 : memref<8xi32, #tpu.memory_space<vmem>>) semaphore(%arg17 : memref<!tpu.dma_semaphore, #tpu.memory_space<semaphore_mem>>)
      %add3A_383 = arith.constant 4 : i32
      %add3A_384 = arith.addi %mul3A_246, %add3A_383 : i32
      %mul3A_385 = arith.constant 8 : i32
      %mul3A_386 = arith.muli %add3A_384, %mul3A_385 : i32
      %dma_wait3A_387 = tpu.memref_slice %arg5[%mul3A_386] : memref<512xi32, #tpu.memory_space<vmem>> -> memref<8xi32, #tpu.memory_space<vmem>>
      %dma_wait3A_388 = arith.constant 0 : i32
      %dma_wait3A_389 = arith.constant 0 : i32
      %dma_wait3A_390 = tpu.memref_slice %arg3[%dma_wait3A_388, %dma_wait3A_389] : memref<151936x1152xf32, #tpu.memory_space<hbm>> -> memref<151936x1152xf32, #tpu.memory_space<hbm>>
      tpu.wait_indirect_dma semaphore(%arg18 : memref<!tpu.dma_semaphore, #tpu.memory_space<semaphore_mem>>) src(%dma_wait3A_390 : memref<151936x1152xf32, #tpu.memory_space<hbm>>) dst(%arg10 : memref<8x1152xf32, #tpu.memory_space<vmem>>)
      %mul3A_391 = arith.constant 8 : i32
      %mul3A_392 = arith.muli %add3A_384, %mul3A_391 : i32
      %add3A_393 = arith.addi %mul3A_32, %mul3A_392 : i32
      %dma_start3A_394 = arith.constant 0 : i32
      %dma_start3A_395 = tpu.memref_slice %arg4[%select_n3A, %add3A_393, %dma_start3A_394] : memref<8x2048x1152xf32, #tpu.memory_space<hbm>> -> memref<1x8x1152xf32, #tpu.memory_space<hbm>>
      %dma_start3A_396 = tpu.memref_squeeze %dma_start3A_395 : memref<1x8x1152xf32, #tpu.memory_space<hbm>> -> memref<8x1152xf32, #tpu.memory_space<hbm>>
      %dma_start3A_397 = arith.constant 0 : i32
      %dma_start3A_398 = tpu.memref_slice %arg4[%select_n3A, %add3A_393, %dma_start3A_397] : memref<8x2048x1152xf32, #tpu.memory_space<hbm>> -> memref<1x8x1152xf32, #tpu.memory_space<hbm>>
      %dma_start3A_399 = tpu.memref_squeeze %dma_start3A_398 : memref<1x8x1152xf32, #tpu.memory_space<hbm>> -> memref<8x1152xf32, #tpu.memory_space<hbm>>
      tpu.enqueue_dma source(%arg10 : memref<8x1152xf32, #tpu.memory_space<vmem>>) target(%dma_start3A_399 : memref<8x1152xf32, #tpu.memory_space<hbm>>) target_semaphore(%arg26 : memref<!tpu.dma_semaphore, #tpu.memory_space<semaphore_mem>>)
      %mul3A_400 = arith.constant 8 : i32
      %mul3A_401 = arith.muli %add3A_384, %mul3A_400 : i32
      %add3A_402 = arith.addi %mul3A_32, %mul3A_401 : i32
      %dma_wait3A_403 = arith.constant 0 : i32
      %dma_wait3A_404 = tpu.memref_slice %arg4[%select_n3A, %add3A_402, %dma_wait3A_403] : memref<8x2048x1152xf32, #tpu.memory_space<hbm>> -> memref<1x8x1152xf32, #tpu.memory_space<hbm>>
      %dma_wait3A_405 = tpu.memref_squeeze %dma_wait3A_404 : memref<1x8x1152xf32, #tpu.memory_space<hbm>> -> memref<8x1152xf32, #tpu.memory_space<hbm>>
      %dma_wait3A_406 = arith.constant 0 : i32
      %dma_wait3A_407 = tpu.memref_slice %arg4[%select_n3A, %add3A_402, %dma_wait3A_406] : memref<8x2048x1152xf32, #tpu.memory_space<hbm>> -> memref<1x8x1152xf32, #tpu.memory_space<hbm>>
      %dma_wait3A_408 = tpu.memref_squeeze %dma_wait3A_407 : memref<1x8x1152xf32, #tpu.memory_space<hbm>> -> memref<8x1152xf32, #tpu.memory_space<hbm>>
      tpu.wait_dma2 semaphore(%arg26 : memref<!tpu.dma_semaphore, #tpu.memory_space<semaphore_mem>>) src(%arg10 : memref<8x1152xf32, #tpu.memory_space<vmem>>) dst(%dma_wait3A_408 : memref<8x1152xf32, #tpu.memory_space<hbm>>)
      %add3A_409 = arith.constant 8 : i32
      %add3A_410 = arith.addi %add3A_384, %add3A_409 : i32
      %mul3A_411 = arith.constant 8 : i32
      %mul3A_412 = arith.muli %add3A_410, %mul3A_411 : i32
      %dma_start3A_413 = tpu.memref_slice %arg5[%mul3A_412] : memref<512xi32, #tpu.memory_space<vmem>> -> memref<8xi32, #tpu.memory_space<vmem>>
      %dma_start3A_414 = arith.constant 0 : i32
      %dma_start3A_415 = arith.constant 0 : i32
      %dma_start3A_416 = tpu.memref_slice %arg3[%dma_start3A_414, %dma_start3A_415] : memref<151936x1152xf32, #tpu.memory_space<hbm>> -> memref<151936x1152xf32, #tpu.memory_space<hbm>>
      tpu.enqueue_indirect_dma source(%dma_start3A_416 : memref<151936x1152xf32, #tpu.memory_space<hbm>>) target(%arg10 : memref<8x1152xf32, #tpu.memory_space<vmem>>) offsets(%dma_start3A_413 : memref<8xi32, #tpu.memory_space<vmem>>) semaphore(%arg18 : memref<!tpu.dma_semaphore, #tpu.memory_space<semaphore_mem>>)
      %add3A_417 = arith.constant 5 : i32
      %add3A_418 = arith.addi %mul3A_246, %add3A_417 : i32
      %mul3A_419 = arith.constant 8 : i32
      %mul3A_420 = arith.muli %add3A_418, %mul3A_419 : i32
      %dma_wait3A_421 = tpu.memref_slice %arg5[%mul3A_420] : memref<512xi32, #tpu.memory_space<vmem>> -> memref<8xi32, #tpu.memory_space<vmem>>
      %dma_wait3A_422 = arith.constant 0 : i32
      %dma_wait3A_423 = arith.constant 0 : i32
      %dma_wait3A_424 = tpu.memref_slice %arg3[%dma_wait3A_422, %dma_wait3A_423] : memref<151936x1152xf32, #tpu.memory_space<hbm>> -> memref<151936x1152xf32, #tpu.memory_space<hbm>>
      tpu.wait_indirect_dma semaphore(%arg19 : memref<!tpu.dma_semaphore, #tpu.memory_space<semaphore_mem>>) src(%dma_wait3A_424 : memref<151936x1152xf32, #tpu.memory_space<hbm>>) dst(%arg11 : memref<8x1152xf32, #tpu.memory_space<vmem>>)
      %mul3A_425 = arith.constant 8 : i32
      %mul3A_426 = arith.muli %add3A_418, %mul3A_425 : i32
      %add3A_427 = arith.addi %mul3A_32, %mul3A_426 : i32
      %dma_start3A_428 = arith.constant 0 : i32
      %dma_start3A_429 = tpu.memref_slice %arg4[%select_n3A, %add3A_427, %dma_start3A_428] : memref<8x2048x1152xf32, #tpu.memory_space<hbm>> -> memref<1x8x1152xf32, #tpu.memory_space<hbm>>
      %dma_start3A_430 = tpu.memref_squeeze %dma_start3A_429 : memref<1x8x1152xf32, #tpu.memory_space<hbm>> -> memref<8x1152xf32, #tpu.memory_space<hbm>>
      %dma_start3A_431 = arith.constant 0 : i32
      %dma_start3A_432 = tpu.memref_slice %arg4[%select_n3A, %add3A_427, %dma_start3A_431] : memref<8x2048x1152xf32, #tpu.memory_space<hbm>> -> memref<1x8x1152xf32, #tpu.memory_space<hbm>>
      %dma_start3A_433 = tpu.memref_squeeze %dma_start3A_432 : memref<1x8x1152xf32, #tpu.memory_space<hbm>> -> memref<8x1152xf32, #tpu.memory_space<hbm>>
      tpu.enqueue_dma source(%arg11 : memref<8x1152xf32, #tpu.memory_space<vmem>>) target(%dma_start3A_433 : memref<8x1152xf32, #tpu.memory_space<hbm>>) target_semaphore(%arg27 : memref<!tpu.dma_semaphore, #tpu.memory_space<semaphore_mem>>)
      %mul3A_434 = arith.constant 8 : i32
      %mul3A_435 = arith.muli %add3A_418, %mul3A_434 : i32
      %add3A_436 = arith.addi %mul3A_32, %mul3A_435 : i32
      %dma_wait3A_437 = arith.constant 0 : i32
      %dma_wait3A_438 = tpu.memref_slice %arg4[%select_n3A, %add3A_436, %dma_wait3A_437] : memref<8x2048x1152xf32, #tpu.memory_space<hbm>> -> memref<1x8x1152xf32, #tpu.memory_space<hbm>>
      %dma_wait3A_439 = tpu.memref_squeeze %dma_wait3A_438 : memref<1x8x1152xf32, #tpu.memory_space<hbm>> -> memref<8x1152xf32, #tpu.memory_space<hbm>>
      %dma_wait3A_440 = arith.constant 0 : i32
      %dma_wait3A_441 = tpu.memref_slice %arg4[%select_n3A, %add3A_436, %dma_wait3A_440] : memref<8x2048x1152xf32, #tpu.memory_space<hbm>> -> memref<1x8x1152xf32, #tpu.memory_space<hbm>>
      %dma_wait3A_442 = tpu.memref_squeeze %dma_wait3A_441 : memref<1x8x1152xf32, #tpu.memory_space<hbm>> -> memref<8x1152xf32, #tpu.memory_space<hbm>>
      tpu.wait_dma2 semaphore(%arg27 : memref<!tpu.dma_semaphore, #tpu.memory_space<semaphore_mem>>) src(%arg11 : memref<8x1152xf32, #tpu.memory_space<vmem>>) dst(%dma_wait3A_442 : memref<8x1152xf32, #tpu.memory_space<hbm>>)
      %add3A_443 = arith.constant 8 : i32
      %add3A_444 = arith.addi %add3A_418, %add3A_443 : i32
      %mul3A_445 = arith.constant 8 : i32
      %mul3A_446 = arith.muli %add3A_444, %mul3A_445 : i32
      %dma_start3A_447 = tpu.memref_slice %arg5[%mul3A_446] : memref<512xi32, #tpu.memory_space<vmem>> -> memref<8xi32, #tpu.memory_space<vmem>>
      %dma_start3A_448 = arith.constant 0 : i32
      %dma_start3A_449 = arith.constant 0 : i32
      %dma_start3A_450 = tpu.memref_slice %arg3[%dma_start3A_448, %dma_start3A_449] : memref<151936x1152xf32, #tpu.memory_space<hbm>> -> memref<151936x1152xf32, #tpu.memory_space<hbm>>
      tpu.enqueue_indirect_dma source(%dma_start3A_450 : memref<151936x1152xf32, #tpu.memory_space<hbm>>) target(%arg11 : memref<8x1152xf32, #tpu.memory_space<vmem>>) offsets(%dma_start3A_447 : memref<8xi32, #tpu.memory_space<vmem>>) semaphore(%arg19 : memref<!tpu.dma_semaphore, #tpu.memory_space<semaphore_mem>>)
      %add3A_451 = arith.constant 6 : i32
      %add3A_452 = arith.addi %mul3A_246, %add3A_451 : i32
      %mul3A_453 = arith.constant 8 : i32
      %mul3A_454 = arith.muli %add3A_452, %mul3A_453 : i32
      %dma_wait3A_455 = tpu.memref_slice %arg5[%mul3A_454] : memref<512xi32, #tpu.memory_space<vmem>> -> memref<8xi32, #tpu.memory_space<vmem>>
      %dma_wait3A_456 = arith.constant 0 : i32
      %dma_wait3A_457 = arith.constant 0 : i32
      %dma_wait3A_458 = tpu.memref_slice %arg3[%dma_wait3A_456, %dma_wait3A_457] : memref<151936x1152xf32, #tpu.memory_space<hbm>> -> memref<151936x1152xf32, #tpu.memory_space<hbm>>
      tpu.wait_indirect_dma semaphore(%arg20 : memref<!tpu.dma_semaphore, #tpu.memory_space<semaphore_mem>>) src(%dma_wait3A_458 : memref<151936x1152xf32, #tpu.memory_space<hbm>>) dst(%arg12 : memref<8x1152xf32, #tpu.memory_space<vmem>>)
      %mul3A_459 = arith.constant 8 : i32
      %mul3A_460 = arith.muli %add3A_452, %mul3A_459 : i32
      %add3A_461 = arith.addi %mul3A_32, %mul3A_460 : i32
      %dma_start3A_462 = arith.constant 0 : i32
      %dma_start3A_463 = tpu.memref_slice %arg4[%select_n3A, %add3A_461, %dma_start3A_462] : memref<8x2048x1152xf32, #tpu.memory_space<hbm>> -> memref<1x8x1152xf32, #tpu.memory_space<hbm>>
      %dma_start3A_464 = tpu.memref_squeeze %dma_start3A_463 : memref<1x8x1152xf32, #tpu.memory_space<hbm>> -> memref<8x1152xf32, #tpu.memory_space<hbm>>
      %dma_start3A_465 = arith.constant 0 : i32
      %dma_start3A_466 = tpu.memref_slice %arg4[%select_n3A, %add3A_461, %dma_start3A_465] : memref<8x2048x1152xf32, #tpu.memory_space<hbm>> -> memref<1x8x1152xf32, #tpu.memory_space<hbm>>
      %dma_start3A_467 = tpu.memref_squeeze %dma_start3A_466 : memref<1x8x1152xf32, #tpu.memory_space<hbm>> -> memref<8x1152xf32, #tpu.memory_space<hbm>>
      tpu.enqueue_dma source(%arg12 : memref<8x1152xf32, #tpu.memory_space<vmem>>) target(%dma_start3A_467 : memref<8x1152xf32, #tpu.memory_space<hbm>>) target_semaphore(%arg28 : memref<!tpu.dma_semaphore, #tpu.memory_space<semaphore_mem>>)
      %mul3A_468 = arith.constant 8 : i32
      %mul3A_469 = arith.muli %add3A_452, %mul3A_468 : i32
      %add3A_470 = arith.addi %mul3A_32, %mul3A_469 : i32
      %dma_wait3A_471 = arith.constant 0 : i32
      %dma_wait3A_472 = tpu.memref_slice %arg4[%select_n3A, %add3A_470, %dma_wait3A_471] : memref<8x2048x1152xf32, #tpu.memory_space<hbm>> -> memref<1x8x1152xf32, #tpu.memory_space<hbm>>
      %dma_wait3A_473 = tpu.memref_squeeze %dma_wait3A_472 : memref<1x8x1152xf32, #tpu.memory_space<hbm>> -> memref<8x1152xf32, #tpu.memory_space<hbm>>
      %dma_wait3A_474 = arith.constant 0 : i32
      %dma_wait3A_475 = tpu.memref_slice %arg4[%select_n3A, %add3A_470, %dma_wait3A_474] : memref<8x2048x1152xf32, #tpu.memory_space<hbm>> -> memref<1x8x1152xf32, #tpu.memory_space<hbm>>
      %dma_wait3A_476 = tpu.memref_squeeze %dma_wait3A_475 : memref<1x8x1152xf32, #tpu.memory_space<hbm>> -> memref<8x1152xf32, #tpu.memory_space<hbm>>
      tpu.wait_dma2 semaphore(%arg28 : memref<!tpu.dma_semaphore, #tpu.memory_space<semaphore_mem>>) src(%arg12 : memref<8x1152xf32, #tpu.memory_space<vmem>>) dst(%dma_wait3A_476 : memref<8x1152xf32, #tpu.memory_space<hbm>>)
      %add3A_477 = arith.constant 8 : i32
      %add3A_478 = arith.addi %add3A_452, %add3A_477 : i32
      %mul3A_479 = arith.constant 8 : i32
      %mul3A_480 = arith.muli %add3A_478, %mul3A_479 : i32
      %dma_start3A_481 = tpu.memref_slice %arg5[%mul3A_480] : memref<512xi32, #tpu.memory_space<vmem>> -> memref<8xi32, #tpu.memory_space<vmem>>
      %dma_start3A_482 = arith.constant 0 : i32
      %dma_start3A_483 = arith.constant 0 : i32
      %dma_start3A_484 = tpu.memref_slice %arg3[%dma_start3A_482, %dma_start3A_483] : memref<151936x1152xf32, #tpu.memory_space<hbm>> -> memref<151936x1152xf32, #tpu.memory_space<hbm>>
      tpu.enqueue_indirect_dma source(%dma_start3A_484 : memref<151936x1152xf32, #tpu.memory_space<hbm>>) target(%arg12 : memref<8x1152xf32, #tpu.memory_space<vmem>>) offsets(%dma_start3A_481 : memref<8xi32, #tpu.memory_space<vmem>>) semaphore(%arg20 : memref<!tpu.dma_semaphore, #tpu.memory_space<semaphore_mem>>)
      %add3A_485 = arith.constant 7 : i32
      %add3A_486 = arith.addi %mul3A_246, %add3A_485 : i32
      %mul3A_487 = arith.constant 8 : i32
      %mul3A_488 = arith.muli %add3A_486, %mul3A_487 : i32
      %dma_wait3A_489 = tpu.memref_slice %arg5[%mul3A_488] : memref<512xi32, #tpu.memory_space<vmem>> -> memref<8xi32, #tpu.memory_space<vmem>>
      %dma_wait3A_490 = arith.constant 0 : i32
      %dma_wait3A_491 = arith.constant 0 : i32
      %dma_wait3A_492 = tpu.memref_slice %arg3[%dma_wait3A_490, %dma_wait3A_491] : memref<151936x1152xf32, #tpu.memory_space<hbm>> -> memref<151936x1152xf32, #tpu.memory_space<hbm>>
      tpu.wait_indirect_dma semaphore(%arg21 : memref<!tpu.dma_semaphore, #tpu.memory_space<semaphore_mem>>) src(%dma_wait3A_492 : memref<151936x1152xf32, #tpu.memory_space<hbm>>) dst(%arg13 : memref<8x1152xf32, #tpu.memory_space<vmem>>)
      %mul3A_493 = arith.constant 8 : i32
      %mul3A_494 = arith.muli %add3A_486, %mul3A_493 : i32
      %add3A_495 = arith.addi %mul3A_32, %mul3A_494 : i32
      %dma_start3A_496 = arith.constant 0 : i32
      %dma_start3A_497 = tpu.memref_slice %arg4[%select_n3A, %add3A_495, %dma_start3A_496] : memref<8x2048x1152xf32, #tpu.memory_space<hbm>> -> memref<1x8x1152xf32, #tpu.memory_space<hbm>>
      %dma_start3A_498 = tpu.memref_squeeze %dma_start3A_497 : memref<1x8x1152xf32, #tpu.memory_space<hbm>> -> memref<8x1152xf32, #tpu.memory_space<hbm>>
      %dma_start3A_499 = arith.constant 0 : i32
      %dma_start3A_500 = tpu.memref_slice %arg4[%select_n3A, %add3A_495, %dma_start3A_499] : memref<8x2048x1152xf32, #tpu.memory_space<hbm>> -> memref<1x8x1152xf32, #tpu.memory_space<hbm>>
      %dma_start3A_501 = tpu.memref_squeeze %dma_start3A_500 : memref<1x8x1152xf32, #tpu.memory_space<hbm>> -> memref<8x1152xf32, #tpu.memory_space<hbm>>
      tpu.enqueue_dma source(%arg13 : memref<8x1152xf32, #tpu.memory_space<vmem>>) target(%dma_start3A_501 : memref<8x1152xf32, #tpu.memory_space<hbm>>) target_semaphore(%arg29 : memref<!tpu.dma_semaphore, #tpu.memory_space<semaphore_mem>>)
      %mul3A_502 = arith.constant 8 : i32
      %mul3A_503 = arith.muli %add3A_486, %mul3A_502 : i32
      %add3A_504 = arith.addi %mul3A_32, %mul3A_503 : i32
      %dma_wait3A_505 = arith.constant 0 : i32
      %dma_wait3A_506 = tpu.memref_slice %arg4[%select_n3A, %add3A_504, %dma_wait3A_505] : memref<8x2048x1152xf32, #tpu.memory_space<hbm>> -> memref<1x8x1152xf32, #tpu.memory_space<hbm>>
      %dma_wait3A_507 = tpu.memref_squeeze %dma_wait3A_506 : memref<1x8x1152xf32, #tpu.memory_space<hbm>> -> memref<8x1152xf32, #tpu.memory_space<hbm>>
      %dma_wait3A_508 = arith.constant 0 : i32
      %dma_wait3A_509 = tpu.memref_slice %arg4[%select_n3A, %add3A_504, %dma_wait3A_508] : memref<8x2048x1152xf32, #tpu.memory_space<hbm>> -> memref<1x8x1152xf32, #tpu.memory_space<hbm>>
      %dma_wait3A_510 = tpu.memref_squeeze %dma_wait3A_509 : memref<1x8x1152xf32, #tpu.memory_space<hbm>> -> memref<8x1152xf32, #tpu.memory_space<hbm>>
      tpu.wait_dma2 semaphore(%arg29 : memref<!tpu.dma_semaphore, #tpu.memory_space<semaphore_mem>>) src(%arg13 : memref<8x1152xf32, #tpu.memory_space<vmem>>) dst(%dma_wait3A_510 : memref<8x1152xf32, #tpu.memory_space<hbm>>)
      %add3A_511 = arith.constant 8 : i32
      %add3A_512 = arith.addi %add3A_486, %add3A_511 : i32
      %mul3A_513 = arith.constant 8 : i32
      %mul3A_514 = arith.muli %add3A_512, %mul3A_513 : i32
      %dma_start3A_515 = tpu.memref_slice %arg5[%mul3A_514] : memref<512xi32, #tpu.memory_space<vmem>> -> memref<8xi32, #tpu.memory_space<vmem>>
      %dma_start3A_516 = arith.constant 0 : i32
      %dma_start3A_517 = arith.constant 0 : i32
      %dma_start3A_518 = tpu.memref_slice %arg3[%dma_start3A_516, %dma_start3A_517] : memref<151936x1152xf32, #tpu.memory_space<hbm>> -> memref<151936x1152xf32, #tpu.memory_space<hbm>>
      tpu.enqueue_indirect_dma source(%dma_start3A_518 : memref<151936x1152xf32, #tpu.memory_space<hbm>>) target(%arg13 : memref<8x1152xf32, #tpu.memory_space<vmem>>) offsets(%dma_start3A_515 : memref<8xi32, #tpu.memory_space<vmem>>) semaphore(%arg21 : memref<!tpu.dma_semaphore, #tpu.memory_space<semaphore_mem>>)
    }
    %scan3A_76 = arith.constant 7 : i32
    %dma_wait3A = arith.constant 448 : i32
    %dma_wait3A_77 = tpu.memref_slice %arg5[%dma_wait3A] : memref<512xi32, #tpu.memory_space<vmem>> -> memref<8xi32, #tpu.memory_space<vmem>>
    %dma_wait3A_78 = arith.constant 0 : i32
    %dma_wait3A_79 = arith.constant 0 : i32
    %dma_wait3A_80 = tpu.memref_slice %arg3[%dma_wait3A_78, %dma_wait3A_79] : memref<151936x1152xf32, #tpu.memory_space<hbm>> -> memref<151936x1152xf32, #tpu.memory_space<hbm>>
    tpu.wait_indirect_dma semaphore(%arg14 : memref<!tpu.dma_semaphore, #tpu.memory_space<semaphore_mem>>) src(%dma_wait3A_80 : memref<151936x1152xf32, #tpu.memory_space<hbm>>) dst(%arg6 : memref<8x1152xf32, #tpu.memory_space<vmem>>)
    %add3A_81 = arith.constant 448 : i32
    %add3A_82 = arith.addi %mul3A_32, %add3A_81 : i32
    %dma_start3A_83 = arith.constant 0 : i32
    %dma_start3A_84 = tpu.memref_slice %arg4[%select_n3A, %add3A_82, %dma_start3A_83] : memref<8x2048x1152xf32, #tpu.memory_space<hbm>> -> memref<1x8x1152xf32, #tpu.memory_space<hbm>>
    %dma_start3A_85 = tpu.memref_squeeze %dma_start3A_84 : memref<1x8x1152xf32, #tpu.memory_space<hbm>> -> memref<8x1152xf32, #tpu.memory_space<hbm>>
    %dma_start3A_86 = arith.constant 0 : i32
    %dma_start3A_87 = tpu.memref_slice %arg4[%select_n3A, %add3A_82, %dma_start3A_86] : memref<8x2048x1152xf32, #tpu.memory_space<hbm>> -> memref<1x8x1152xf32, #tpu.memory_space<hbm>>
    %dma_start3A_88 = tpu.memref_squeeze %dma_start3A_87 : memref<1x8x1152xf32, #tpu.memory_space<hbm>> -> memref<8x1152xf32, #tpu.memory_space<hbm>>
    tpu.enqueue_dma source(%arg6 : memref<8x1152xf32, #tpu.memory_space<vmem>>) target(%dma_start3A_88 : memref<8x1152xf32, #tpu.memory_space<hbm>>) target_semaphore(%arg22 : memref<!tpu.dma_semaphore, #tpu.memory_space<semaphore_mem>>)
    %dma_wait3A_89 = arith.constant 456 : i32
    %dma_wait3A_90 = tpu.memref_slice %arg5[%dma_wait3A_89] : memref<512xi32, #tpu.memory_space<vmem>> -> memref<8xi32, #tpu.memory_space<vmem>>
    %dma_wait3A_91 = arith.constant 0 : i32
    %dma_wait3A_92 = arith.constant 0 : i32
    %dma_wait3A_93 = tpu.memref_slice %arg3[%dma_wait3A_91, %dma_wait3A_92] : memref<151936x1152xf32, #tpu.memory_space<hbm>> -> memref<151936x1152xf32, #tpu.memory_space<hbm>>
    tpu.wait_indirect_dma semaphore(%arg15 : memref<!tpu.dma_semaphore, #tpu.memory_space<semaphore_mem>>) src(%dma_wait3A_93 : memref<151936x1152xf32, #tpu.memory_space<hbm>>) dst(%arg7 : memref<8x1152xf32, #tpu.memory_space<vmem>>)
    %add3A_94 = arith.constant 456 : i32
    %add3A_95 = arith.addi %mul3A_32, %add3A_94 : i32
    %dma_start3A_96 = arith.constant 0 : i32
    %dma_start3A_97 = tpu.memref_slice %arg4[%select_n3A, %add3A_95, %dma_start3A_96] : memref<8x2048x1152xf32, #tpu.memory_space<hbm>> -> memref<1x8x1152xf32, #tpu.memory_space<hbm>>
    %dma_start3A_98 = tpu.memref_squeeze %dma_start3A_97 : memref<1x8x1152xf32, #tpu.memory_space<hbm>> -> memref<8x1152xf32, #tpu.memory_space<hbm>>
    %dma_start3A_99 = arith.constant 0 : i32
    %dma_start3A_100 = tpu.memref_slice %arg4[%select_n3A, %add3A_95, %dma_start3A_99] : memref<8x2048x1152xf32, #tpu.memory_space<hbm>> -> memref<1x8x1152xf32, #tpu.memory_space<hbm>>
    %dma_start3A_101 = tpu.memref_squeeze %dma_start3A_100 : memref<1x8x1152xf32, #tpu.memory_space<hbm>> -> memref<8x1152xf32, #tpu.memory_space<hbm>>
    tpu.enqueue_dma source(%arg7 : memref<8x1152xf32, #tpu.memory_space<vmem>>) target(%dma_start3A_101 : memref<8x1152xf32, #tpu.memory_space<hbm>>) target_semaphore(%arg23 : memref<!tpu.dma_semaphore, #tpu.memory_space<semaphore_mem>>)
    %dma_wait3A_102 = arith.constant 464 : i32
    %dma_wait3A_103 = tpu.memref_slice %arg5[%dma_wait3A_102] : memref<512xi32, #tpu.memory_space<vmem>> -> memref<8xi32, #tpu.memory_space<vmem>>
    %dma_wait3A_104 = arith.constant 0 : i32
    %dma_wait3A_105 = arith.constant 0 : i32
    %dma_wait3A_106 = tpu.memref_slice %arg3[%dma_wait3A_104, %dma_wait3A_105] : memref<151936x1152xf32, #tpu.memory_space<hbm>> -> memref<151936x1152xf32, #tpu.memory_space<hbm>>
    tpu.wait_indirect_dma semaphore(%arg16 : memref<!tpu.dma_semaphore, #tpu.memory_space<semaphore_mem>>) src(%dma_wait3A_106 : memref<151936x1152xf32, #tpu.memory_space<hbm>>) dst(%arg8 : memref<8x1152xf32, #tpu.memory_space<vmem>>)
    %add3A_107 = arith.constant 464 : i32
    %add3A_108 = arith.addi %mul3A_32, %add3A_107 : i32
    %dma_start3A_109 = arith.constant 0 : i32
    %dma_start3A_110 = tpu.memref_slice %arg4[%select_n3A, %add3A_108, %dma_start3A_109] : memref<8x2048x1152xf32, #tpu.memory_space<hbm>> -> memref<1x8x1152xf32, #tpu.memory_space<hbm>>
    %dma_start3A_111 = tpu.memref_squeeze %dma_start3A_110 : memref<1x8x1152xf32, #tpu.memory_space<hbm>> -> memref<8x1152xf32, #tpu.memory_space<hbm>>
    %dma_start3A_112 = arith.constant 0 : i32
    %dma_start3A_113 = tpu.memref_slice %arg4[%select_n3A, %add3A_108, %dma_start3A_112] : memref<8x2048x1152xf32, #tpu.memory_space<hbm>> -> memref<1x8x1152xf32, #tpu.memory_space<hbm>>
    %dma_start3A_114 = tpu.memref_squeeze %dma_start3A_113 : memref<1x8x1152xf32, #tpu.memory_space<hbm>> -> memref<8x1152xf32, #tpu.memory_space<hbm>>
    tpu.enqueue_dma source(%arg8 : memref<8x1152xf32, #tpu.memory_space<vmem>>) target(%dma_start3A_114 : memref<8x1152xf32, #tpu.memory_space<hbm>>) target_semaphore(%arg24 : memref<!tpu.dma_semaphore, #tpu.memory_space<semaphore_mem>>)
    %dma_wait3A_115 = arith.constant 472 : i32
    %dma_wait3A_116 = tpu.memref_slice %arg5[%dma_wait3A_115] : memref<512xi32, #tpu.memory_space<vmem>> -> memref<8xi32, #tpu.memory_space<vmem>>
    %dma_wait3A_117 = arith.constant 0 : i32
    %dma_wait3A_118 = arith.constant 0 : i32
    %dma_wait3A_119 = tpu.memref_slice %arg3[%dma_wait3A_117, %dma_wait3A_118] : memref<151936x1152xf32, #tpu.memory_space<hbm>> -> memref<151936x1152xf32, #tpu.memory_space<hbm>>
    tpu.wait_indirect_dma semaphore(%arg17 : memref<!tpu.dma_semaphore, #tpu.memory_space<semaphore_mem>>) src(%dma_wait3A_119 : memref<151936x1152xf32, #tpu.memory_space<hbm>>) dst(%arg9 : memref<8x1152xf32, #tpu.memory_space<vmem>>)
    %add3A_120 = arith.constant 472 : i32
    %add3A_121 = arith.addi %mul3A_32, %add3A_120 : i32
    %dma_start3A_122 = arith.constant 0 : i32
    %dma_start3A_123 = tpu.memref_slice %arg4[%select_n3A, %add3A_121, %dma_start3A_122] : memref<8x2048x1152xf32, #tpu.memory_space<hbm>> -> memref<1x8x1152xf32, #tpu.memory_space<hbm>>
    %dma_start3A_124 = tpu.memref_squeeze %dma_start3A_123 : memref<1x8x1152xf32, #tpu.memory_space<hbm>> -> memref<8x1152xf32, #tpu.memory_space<hbm>>
    %dma_start3A_125 = arith.constant 0 : i32
    %dma_start3A_126 = tpu.memref_slice %arg4[%select_n3A, %add3A_121, %dma_start3A_125] : memref<8x2048x1152xf32, #tpu.memory_space<hbm>> -> memref<1x8x1152xf32, #tpu.memory_space<hbm>>
    %dma_start3A_127 = tpu.memref_squeeze %dma_start3A_126 : memref<1x8x1152xf32, #tpu.memory_space<hbm>> -> memref<8x1152xf32, #tpu.memory_space<hbm>>
    tpu.enqueue_dma source(%arg9 : memref<8x1152xf32, #tpu.memory_space<vmem>>) target(%dma_start3A_127 : memref<8x1152xf32, #tpu.memory_space<hbm>>) target_semaphore(%arg25 : memref<!tpu.dma_semaphore, #tpu.memory_space<semaphore_mem>>)
    %dma_wait3A_128 = arith.constant 480 : i32
    %dma_wait3A_129 = tpu.memref_slice %arg5[%dma_wait3A_128] : memref<512xi32, #tpu.memory_space<vmem>> -> memref<8xi32, #tpu.memory_space<vmem>>
    %dma_wait3A_130 = arith.constant 0 : i32
    %dma_wait3A_131 = arith.constant 0 : i32
    %dma_wait3A_132 = tpu.memref_slice %arg3[%dma_wait3A_130, %dma_wait3A_131] : memref<151936x1152xf32, #tpu.memory_space<hbm>> -> memref<151936x1152xf32, #tpu.memory_space<hbm>>
    tpu.wait_indirect_dma semaphore(%arg18 : memref<!tpu.dma_semaphore, #tpu.memory_space<semaphore_mem>>) src(%dma_wait3A_132 : memref<151936x1152xf32, #tpu.memory_space<hbm>>) dst(%arg10 : memref<8x1152xf32, #tpu.memory_space<vmem>>)
    %add3A_133 = arith.constant 480 : i32
    %add3A_134 = arith.addi %mul3A_32, %add3A_133 : i32
    %dma_start3A_135 = arith.constant 0 : i32
    %dma_start3A_136 = tpu.memref_slice %arg4[%select_n3A, %add3A_134, %dma_start3A_135] : memref<8x2048x1152xf32, #tpu.memory_space<hbm>> -> memref<1x8x1152xf32, #tpu.memory_space<hbm>>
    %dma_start3A_137 = tpu.memref_squeeze %dma_start3A_136 : memref<1x8x1152xf32, #tpu.memory_space<hbm>> -> memref<8x1152xf32, #tpu.memory_space<hbm>>
    %dma_start3A_138 = arith.constant 0 : i32
    %dma_start3A_139 = tpu.memref_slice %arg4[%select_n3A, %add3A_134, %dma_start3A_138] : memref<8x2048x1152xf32, #tpu.memory_space<hbm>> -> memref<1x8x1152xf32, #tpu.memory_space<hbm>>
    %dma_start3A_140 = tpu.memref_squeeze %dma_start3A_139 : memref<1x8x1152xf32, #tpu.memory_space<hbm>> -> memref<8x1152xf32, #tpu.memory_space<hbm>>
    tpu.enqueue_dma source(%arg10 : memref<8x1152xf32, #tpu.memory_space<vmem>>) target(%dma_start3A_140 : memref<8x1152xf32, #tpu.memory_space<hbm>>) target_semaphore(%arg26 : memref<!tpu.dma_semaphore, #tpu.memory_space<semaphore_mem>>)
    %dma_wait3A_141 = arith.constant 488 : i32
    %dma_wait3A_142 = tpu.memref_slice %arg5[%dma_wait3A_141] : memref<512xi32, #tpu.memory_space<vmem>> -> memref<8xi32, #tpu.memory_space<vmem>>
    %dma_wait3A_143 = arith.constant 0 : i32
    %dma_wait3A_144 = arith.constant 0 : i32
    %dma_wait3A_145 = tpu.memref_slice %arg3[%dma_wait3A_143, %dma_wait3A_144] : memref<151936x1152xf32, #tpu.memory_space<hbm>> -> memref<151936x1152xf32, #tpu.memory_space<hbm>>
    tpu.wait_indirect_dma semaphore(%arg19 : memref<!tpu.dma_semaphore, #tpu.memory_space<semaphore_mem>>) src(%dma_wait3A_145 : memref<151936x1152xf32, #tpu.memory_space<hbm>>) dst(%arg11 : memref<8x1152xf32, #tpu.memory_space<vmem>>)
    %add3A_146 = arith.constant 488 : i32
    %add3A_147 = arith.addi %mul3A_32, %add3A_146 : i32
    %dma_start3A_148 = arith.constant 0 : i32
    %dma_start3A_149 = tpu.memref_slice %arg4[%select_n3A, %add3A_147, %dma_start3A_148] : memref<8x2048x1152xf32, #tpu.memory_space<hbm>> -> memref<1x8x1152xf32, #tpu.memory_space<hbm>>
    %dma_start3A_150 = tpu.memref_squeeze %dma_start3A_149 : memref<1x8x1152xf32, #tpu.memory_space<hbm>> -> memref<8x1152xf32, #tpu.memory_space<hbm>>
    %dma_start3A_151 = arith.constant 0 : i32
    %dma_start3A_152 = tpu.memref_slice %arg4[%select_n3A, %add3A_147, %dma_start3A_151] : memref<8x2048x1152xf32, #tpu.memory_space<hbm>> -> memref<1x8x1152xf32, #tpu.memory_space<hbm>>
    %dma_start3A_153 = tpu.memref_squeeze %dma_start3A_152 : memref<1x8x1152xf32, #tpu.memory_space<hbm>> -> memref<8x1152xf32, #tpu.memory_space<hbm>>
    tpu.enqueue_dma source(%arg11 : memref<8x1152xf32, #tpu.memory_space<vmem>>) target(%dma_start3A_153 : memref<8x1152xf32, #tpu.memory_space<hbm>>) target_semaphore(%arg27 : memref<!tpu.dma_semaphore, #tpu.memory_space<semaphore_mem>>)
    %dma_wait3A_154 = arith.constant 496 : i32
    %dma_wait3A_155 = tpu.memref_slice %arg5[%dma_wait3A_154] : memref<512xi32, #tpu.memory_space<vmem>> -> memref<8xi32, #tpu.memory_space<vmem>>
    %dma_wait3A_156 = arith.constant 0 : i32
    %dma_wait3A_157 = arith.constant 0 : i32
    %dma_wait3A_158 = tpu.memref_slice %arg3[%dma_wait3A_156, %dma_wait3A_157] : memref<151936x1152xf32, #tpu.memory_space<hbm>> -> memref<151936x1152xf32, #tpu.memory_space<hbm>>
    tpu.wait_indirect_dma semaphore(%arg20 : memref<!tpu.dma_semaphore, #tpu.memory_space<semaphore_mem>>) src(%dma_wait3A_158 : memref<151936x1152xf32, #tpu.memory_space<hbm>>) dst(%arg12 : memref<8x1152xf32, #tpu.memory_space<vmem>>)
    %add3A_159 = arith.constant 496 : i32
    %add3A_160 = arith.addi %mul3A_32, %add3A_159 : i32
    %dma_start3A_161 = arith.constant 0 : i32
    %dma_start3A_162 = tpu.memref_slice %arg4[%select_n3A, %add3A_160, %dma_start3A_161] : memref<8x2048x1152xf32, #tpu.memory_space<hbm>> -> memref<1x8x1152xf32, #tpu.memory_space<hbm>>
    %dma_start3A_163 = tpu.memref_squeeze %dma_start3A_162 : memref<1x8x1152xf32, #tpu.memory_space<hbm>> -> memref<8x1152xf32, #tpu.memory_space<hbm>>
    %dma_start3A_164 = arith.constant 0 : i32
    %dma_start3A_165 = tpu.memref_slice %arg4[%select_n3A, %add3A_160, %dma_start3A_164] : memref<8x2048x1152xf32, #tpu.memory_space<hbm>> -> memref<1x8x1152xf32, #tpu.memory_space<hbm>>
    %dma_start3A_166 = tpu.memref_squeeze %dma_start3A_165 : memref<1x8x1152xf32, #tpu.memory_space<hbm>> -> memref<8x1152xf32, #tpu.memory_space<hbm>>
    tpu.enqueue_dma source(%arg12 : memref<8x1152xf32, #tpu.memory_space<vmem>>) target(%dma_start3A_166 : memref<8x1152xf32, #tpu.memory_space<hbm>>) target_semaphore(%arg28 : memref<!tpu.dma_semaphore, #tpu.memory_space<semaphore_mem>>)
    %dma_wait3A_167 = arith.constant 504 : i32
    %dma_wait3A_168 = tpu.memref_slice %arg5[%dma_wait3A_167] : memref<512xi32, #tpu.memory_space<vmem>> -> memref<8xi32, #tpu.memory_space<vmem>>
    %dma_wait3A_169 = arith.constant 0 : i32
    %dma_wait3A_170 = arith.constant 0 : i32
    %dma_wait3A_171 = tpu.memref_slice %arg3[%dma_wait3A_169, %dma_wait3A_170] : memref<151936x1152xf32, #tpu.memory_space<hbm>> -> memref<151936x1152xf32, #tpu.memory_space<hbm>>
    tpu.wait_indirect_dma semaphore(%arg21 : memref<!tpu.dma_semaphore, #tpu.memory_space<semaphore_mem>>) src(%dma_wait3A_171 : memref<151936x1152xf32, #tpu.memory_space<hbm>>) dst(%arg13 : memref<8x1152xf32, #tpu.memory_space<vmem>>)
    %add3A_172 = arith.constant 504 : i32
    %add3A_173 = arith.addi %mul3A_32, %add3A_172 : i32
    %dma_start3A_174 = arith.constant 0 : i32
    %dma_start3A_175 = tpu.memref_slice %arg4[%select_n3A, %add3A_173, %dma_start3A_174] : memref<8x2048x1152xf32, #tpu.memory_space<hbm>> -> memref<1x8x1152xf32, #tpu.memory_space<hbm>>
    %dma_start3A_176 = tpu.memref_squeeze %dma_start3A_175 : memref<1x8x1152xf32, #tpu.memory_space<hbm>> -> memref<8x1152xf32, #tpu.memory_space<hbm>>
    %dma_start3A_177 = arith.constant 0 : i32
    %dma_start3A_178 = tpu.memref_slice %arg4[%select_n3A, %add3A_173, %dma_start3A_177] : memref<8x2048x1152xf32, #tpu.memory_space<hbm>> -> memref<1x8x1152xf32, #tpu.memory_space<hbm>>
    %dma_start3A_179 = tpu.memref_squeeze %dma_start3A_178 : memref<1x8x1152xf32, #tpu.memory_space<hbm>> -> memref<8x1152xf32, #tpu.memory_space<hbm>>
    tpu.enqueue_dma source(%arg13 : memref<8x1152xf32, #tpu.memory_space<vmem>>) target(%dma_start3A_179 : memref<8x1152xf32, #tpu.memory_space<hbm>>) target_semaphore(%arg29 : memref<!tpu.dma_semaphore, #tpu.memory_space<semaphore_mem>>)
    %add3A_180 = arith.constant 448 : i32
    %add3A_181 = arith.addi %mul3A_32, %add3A_180 : i32
    %dma_wait3A_182 = arith.constant 0 : i32
    %dma_wait3A_183 = tpu.memref_slice %arg4[%select_n3A, %add3A_181, %dma_wait3A_182] : memref<8x2048x1152xf32, #tpu.memory_space<hbm>> -> memref<1x8x1152xf32, #tpu.memory_space<hbm>>
    %dma_wait3A_184 = tpu.memref_squeeze %dma_wait3A_183 : memref<1x8x1152xf32, #tpu.memory_space<hbm>> -> memref<8x1152xf32, #tpu.memory_space<hbm>>
    %dma_wait3A_185 = arith.constant 0 : i32
    %dma_wait3A_186 = tpu.memref_slice %arg4[%select_n3A, %add3A_181, %dma_wait3A_185] : memref<8x2048x1152xf32, #tpu.memory_space<hbm>> -> memref<1x8x1152xf32, #tpu.memory_space<hbm>>
    %dma_wait3A_187 = tpu.memref_squeeze %dma_wait3A_186 : memref<1x8x1152xf32, #tpu.memory_space<hbm>> -> memref<8x1152xf32, #tpu.memory_space<hbm>>
    tpu.wait_dma2 semaphore(%arg22 : memref<!tpu.dma_semaphore, #tpu.memory_space<semaphore_mem>>) src(%arg6 : memref<8x1152xf32, #tpu.memory_space<vmem>>) dst(%dma_wait3A_187 : memref<8x1152xf32, #tpu.memory_space<hbm>>)
    %add3A_188 = arith.constant 456 : i32
    %add3A_189 = arith.addi %mul3A_32, %add3A_188 : i32
    %dma_wait3A_190 = arith.constant 0 : i32
    %dma_wait3A_191 = tpu.memref_slice %arg4[%select_n3A, %add3A_189, %dma_wait3A_190] : memref<8x2048x1152xf32, #tpu.memory_space<hbm>> -> memref<1x8x1152xf32, #tpu.memory_space<hbm>>
    %dma_wait3A_192 = tpu.memref_squeeze %dma_wait3A_191 : memref<1x8x1152xf32, #tpu.memory_space<hbm>> -> memref<8x1152xf32, #tpu.memory_space<hbm>>
    %dma_wait3A_193 = arith.constant 0 : i32
    %dma_wait3A_194 = tpu.memref_slice %arg4[%select_n3A, %add3A_189, %dma_wait3A_193] : memref<8x2048x1152xf32, #tpu.memory_space<hbm>> -> memref<1x8x1152xf32, #tpu.memory_space<hbm>>
    %dma_wait3A_195 = tpu.memref_squeeze %dma_wait3A_194 : memref<1x8x1152xf32, #tpu.memory_space<hbm>> -> memref<8x1152xf32, #tpu.memory_space<hbm>>
    tpu.wait_dma2 semaphore(%arg23 : memref<!tpu.dma_semaphore, #tpu.memory_space<semaphore_mem>>) src(%arg7 : memref<8x1152xf32, #tpu.memory_space<vmem>>) dst(%dma_wait3A_195 : memref<8x1152xf32, #tpu.memory_space<hbm>>)
    %add3A_196 = arith.constant 464 : i32
    %add3A_197 = arith.addi %mul3A_32, %add3A_196 : i32
    %dma_wait3A_198 = arith.constant 0 : i32
    %dma_wait3A_199 = tpu.memref_slice %arg4[%select_n3A, %add3A_197, %dma_wait3A_198] : memref<8x2048x1152xf32, #tpu.memory_space<hbm>> -> memref<1x8x1152xf32, #tpu.memory_space<hbm>>
    %dma_wait3A_200 = tpu.memref_squeeze %dma_wait3A_199 : memref<1x8x1152xf32, #tpu.memory_space<hbm>> -> memref<8x1152xf32, #tpu.memory_space<hbm>>
    %dma_wait3A_201 = arith.constant 0 : i32
    %dma_wait3A_202 = tpu.memref_slice %arg4[%select_n3A, %add3A_197, %dma_wait3A_201] : memref<8x2048x1152xf32, #tpu.memory_space<hbm>> -> memref<1x8x1152xf32, #tpu.memory_space<hbm>>
    %dma_wait3A_203 = tpu.memref_squeeze %dma_wait3A_202 : memref<1x8x1152xf32, #tpu.memory_space<hbm>> -> memref<8x1152xf32, #tpu.memory_space<hbm>>
    tpu.wait_dma2 semaphore(%arg24 : memref<!tpu.dma_semaphore, #tpu.memory_space<semaphore_mem>>) src(%arg8 : memref<8x1152xf32, #tpu.memory_space<vmem>>) dst(%dma_wait3A_203 : memref<8x1152xf32, #tpu.memory_space<hbm>>)
    %add3A_204 = arith.constant 472 : i32
    %add3A_205 = arith.addi %mul3A_32, %add3A_204 : i32
    %dma_wait3A_206 = arith.constant 0 : i32
    %dma_wait3A_207 = tpu.memref_slice %arg4[%select_n3A, %add3A_205, %dma_wait3A_206] : memref<8x2048x1152xf32, #tpu.memory_space<hbm>> -> memref<1x8x1152xf32, #tpu.memory_space<hbm>>
    %dma_wait3A_208 = tpu.memref_squeeze %dma_wait3A_207 : memref<1x8x1152xf32, #tpu.memory_space<hbm>> -> memref<8x1152xf32, #tpu.memory_space<hbm>>
    %dma_wait3A_209 = arith.constant 0 : i32
    %dma_wait3A_210 = tpu.memref_slice %arg4[%select_n3A, %add3A_205, %dma_wait3A_209] : memref<8x2048x1152xf32, #tpu.memory_space<hbm>> -> memref<1x8x1152xf32, #tpu.memory_space<hbm>>
    %dma_wait3A_211 = tpu.memref_squeeze %dma_wait3A_210 : memref<1x8x1152xf32, #tpu.memory_space<hbm>> -> memref<8x1152xf32, #tpu.memory_space<hbm>>
    tpu.wait_dma2 semaphore(%arg25 : memref<!tpu.dma_semaphore, #tpu.memory_space<semaphore_mem>>) src(%arg9 : memref<8x1152xf32, #tpu.memory_space<vmem>>) dst(%dma_wait3A_211 : memref<8x1152xf32, #tpu.memory_space<hbm>>)
    %add3A_212 = arith.constant 480 : i32
    %add3A_213 = arith.addi %mul3A_32, %add3A_212 : i32
    %dma_wait3A_214 = arith.constant 0 : i32
    %dma_wait3A_215 = tpu.memref_slice %arg4[%select_n3A, %add3A_213, %dma_wait3A_214] : memref<8x2048x1152xf32, #tpu.memory_space<hbm>> -> memref<1x8x1152xf32, #tpu.memory_space<hbm>>
    %dma_wait3A_216 = tpu.memref_squeeze %dma_wait3A_215 : memref<1x8x1152xf32, #tpu.memory_space<hbm>> -> memref<8x1152xf32, #tpu.memory_space<hbm>>
    %dma_wait3A_217 = arith.constant 0 : i32
    %dma_wait3A_218 = tpu.memref_slice %arg4[%select_n3A, %add3A_213, %dma_wait3A_217] : memref<8x2048x1152xf32, #tpu.memory_space<hbm>> -> memref<1x8x1152xf32, #tpu.memory_space<hbm>>
    %dma_wait3A_219 = tpu.memref_squeeze %dma_wait3A_218 : memref<1x8x1152xf32, #tpu.memory_space<hbm>> -> memref<8x1152xf32, #tpu.memory_space<hbm>>
    tpu.wait_dma2 semaphore(%arg26 : memref<!tpu.dma_semaphore, #tpu.memory_space<semaphore_mem>>) src(%arg10 : memref<8x1152xf32, #tpu.memory_space<vmem>>) dst(%dma_wait3A_219 : memref<8x1152xf32, #tpu.memory_space<hbm>>)
    %add3A_220 = arith.constant 488 : i32
    %add3A_221 = arith.addi %mul3A_32, %add3A_220 : i32
    %dma_wait3A_222 = arith.constant 0 : i32
    %dma_wait3A_223 = tpu.memref_slice %arg4[%select_n3A, %add3A_221, %dma_wait3A_222] : memref<8x2048x1152xf32, #tpu.memory_space<hbm>> -> memref<1x8x1152xf32, #tpu.memory_space<hbm>>
    %dma_wait3A_224 = tpu.memref_squeeze %dma_wait3A_223 : memref<1x8x1152xf32, #tpu.memory_space<hbm>> -> memref<8x1152xf32, #tpu.memory_space<hbm>>
    %dma_wait3A_225 = arith.constant 0 : i32
    %dma_wait3A_226 = tpu.memref_slice %arg4[%select_n3A, %add3A_221, %dma_wait3A_225] : memref<8x2048x1152xf32, #tpu.memory_space<hbm>> -> memref<1x8x1152xf32, #tpu.memory_space<hbm>>
    %dma_wait3A_227 = tpu.memref_squeeze %dma_wait3A_226 : memref<1x8x1152xf32, #tpu.memory_space<hbm>> -> memref<8x1152xf32, #tpu.memory_space<hbm>>
    tpu.wait_dma2 semaphore(%arg27 : memref<!tpu.dma_semaphore, #tpu.memory_space<semaphore_mem>>) src(%arg11 : memref<8x1152xf32, #tpu.memory_space<vmem>>) dst(%dma_wait3A_227 : memref<8x1152xf32, #tpu.memory_space<hbm>>)
    %add3A_228 = arith.constant 496 : i32
    %add3A_229 = arith.addi %mul3A_32, %add3A_228 : i32
    %dma_wait3A_230 = arith.constant 0 : i32
    %dma_wait3A_231 = tpu.memref_slice %arg4[%select_n3A, %add3A_229, %dma_wait3A_230] : memref<8x2048x1152xf32, #tpu.memory_space<hbm>> -> memref<1x8x1152xf32, #tpu.memory_space<hbm>>
    %dma_wait3A_232 = tpu.memref_squeeze %dma_wait3A_231 : memref<1x8x1152xf32, #tpu.memory_space<hbm>> -> memref<8x1152xf32, #tpu.memory_space<hbm>>
    %dma_wait3A_233 = arith.constant 0 : i32
    %dma_wait3A_234 = tpu.memref_slice %arg4[%select_n3A, %add3A_229, %dma_wait3A_233] : memref<8x2048x1152xf32, #tpu.memory_space<hbm>> -> memref<1x8x1152xf32, #tpu.memory_space<hbm>>
    %dma_wait3A_235 = tpu.memref_squeeze %dma_wait3A_234 : memref<1x8x1152xf32, #tpu.memory_space<hbm>> -> memref<8x1152xf32, #tpu.memory_space<hbm>>
    tpu.wait_dma2 semaphore(%arg28 : memref<!tpu.dma_semaphore, #tpu.memory_space<semaphore_mem>>) src(%arg12 : memref<8x1152xf32, #tpu.memory_space<vmem>>) dst(%dma_wait3A_235 : memref<8x1152xf32, #tpu.memory_space<hbm>>)
    %add3A_236 = arith.constant 504 : i32
    %add3A_237 = arith.addi %mul3A_32, %add3A_236 : i32
    %dma_wait3A_238 = arith.constant 0 : i32
    %dma_wait3A_239 = tpu.memref_slice %arg4[%select_n3A, %add3A_237, %dma_wait3A_238] : memref<8x2048x1152xf32, #tpu.memory_space<hbm>> -> memref<1x8x1152xf32, #tpu.memory_space<hbm>>
    %dma_wait3A_240 = tpu.memref_squeeze %dma_wait3A_239 : memref<1x8x1152xf32, #tpu.memory_space<hbm>> -> memref<8x1152xf32, #tpu.memory_space<hbm>>
    %dma_wait3A_241 = arith.constant 0 : i32
    %dma_wait3A_242 = tpu.memref_slice %arg4[%select_n3A, %add3A_237, %dma_wait3A_241] : memref<8x2048x1152xf32, #tpu.memory_space<hbm>> -> memref<1x8x1152xf32, #tpu.memory_space<hbm>>
    %dma_wait3A_243 = tpu.memref_squeeze %dma_wait3A_242 : memref<1x8x1152xf32, #tpu.memory_space<hbm>> -> memref<8x1152xf32, #tpu.memory_space<hbm>>
    tpu.wait_dma2 semaphore(%arg29 : memref<!tpu.dma_semaphore, #tpu.memory_space<semaphore_mem>>) src(%arg13 : memref<8x1152xf32, #tpu.memory_space<vmem>>) dst(%dma_wait3A_243 : memref<8x1152xf32, #tpu.memory_space<hbm>>)
    return
  }
}

</mosaic_0001>

<sc_bundles>
// kernel: kernel.3.cloned.1.call-start
scs
__scs_entry_jumppad:
0x0: {  	(pc) =	sbr.rel $0x88, $3  }
0x1: {  	(tag) =	ssettag $0x0;
	lr =	simm.s32 $0x1  }
0x2: {  	[smem:$0x3F9F] =	sst lr;
	_ =	strace $0xD0000000  }
0x3: {  	_ = 	snop  }
0x4: {  	_ = 	snop  }
0x5: {  	_ = 	snop  }
0x6: {  	_ = 	snop  }
0x7: {  	_ = 	snop  }
__scs_overlays_trampoline_lowered:
0x8: {  	[smem:$0x3FAE] =	sst s0  }
0x9: {  	[smem:$0x3FAF] =	sst s1  }
0xa: {  	[smem:$0x3FB0] =	sst s2  }
0xb: {  	[smem:$0x3FB1] =	sst s3  }
0xc: {  	[smem:$0x3FB2] =	sst s4  }
0xd: {  	[smem:$0x3FB3] =	sst s5  }
0xe: {  	[smem:$0x3FB4] =	sst s6  }
0xf: {  	[smem:$0x3FB5] =	sst s7  }
0x10: {  	[smem:$0x3FB6] =	sst s8  }
0x11: {  	[smem:$0x3FB7] =	sst s9;
	s0 =	simm.s32 @!p0 $0x0  }
0x12: {  	s1 =	sld [smem:$0x3F9D];
	s0 =	simm.s32 @p0 $0x1  }
0x13: {  	[smem:$0x3FB8] =	sst s0;
	s0 =	simm.s32 @!p1 $0x0  }
0x14: {  	s2 =	sld [smem:$0x3F9C];
	s0 =	simm.s32 @p1 $0x1  }
0x15: {  	[smem:$0x3FB9] =	sst s0;
	s0 =	simm.s32 @!p2 $0x0  }
0x16: {  	s3 =	sld [smem:$0x3FDB];
	s0 =	simm.s32 @p2 $0x1  }
0x17: {  	s4 =	simm.s32 $0x1BF5;
	[smem:$0x3FBB] =	sst s0  }
0x18: {  	s0 =	sld [smem:$0x3F9E];
	_ =	swait.ge [sflag:s4], $0x0  }
0x19: {  	s7 =	sld [smem:$0x3F9F]  }
0x1a: {  	s8 =	sadd.s32 $0xFFFFE003, lr  }
0x1b: {  	s9 =	sadd.s32 $0xFFFFFEF7, lr;
	s5 =	simm.s32 $0xFFFFFFFF;
	p2 =	slt.u32 s8, $0xFFFFF086  }
0x1c: {  	p1 =	slt.u32 s9, $0xF7A;
	s5 =	simm.s32 @!p2 $0x0  }
0x1d: {  	s5 =	simm.s32 @p1 $0x1;
	p0 =	seq.s32 s7, s2  }
0x1e: {  	s7 =	smul.u32 @!p0 $0xF7A, s2;
	p2 =	seq.s32 @!p0 s5, $0x0  }
0x1f: {  	s9 =	smul.u32 $0xF7A, s1;
	s8 =	simm.s32 @!p0 $0x1BF5;
	p2 =	por !p2, p0  }
0x20: {  	[sflag:s8] =	ssyncset.s32 @!p0 $0xFFFFF086;
	s6 =	sadd.s32 @!p0 s3, s7;
	s7 =	simm.s32 @!p0 $0x108  }
0x21: {  	s3 =	sadd.s32 s3, s9;
	s6 =	sadd.s32 @!p0 $0x88, s6;
	s7 =	simm.s32 @p2 $0x1082  }
0x22: {  	[simem:s7], [sflag:s8] =	dma.local @!p0 [hbm:s6], $0xF7A  }
0x23: {  	s9 =	sor.u32 $0xD0000000, s2;
	s6 =	simm.s32 $0x108;
	_ =	swait.ge @!p0 [sflag:s8], $0x0  }
0x24: {  	s3 =	sadd.s32 $0x88, s3;
	s6 =	simm.s32 @!p1 $0x1082;
	[sflag:s4] =	ssyncset.s32 $0xFFFFF086  }
0x25: {  	[simem:s6], [sflag:s4] =	dma.local [hbm:s3], $0xF7A  }
0x26: {  	[smem:$0x3F9F] =	sst s1;
	(tag) =	ssettag s2;
	_ =	strace s9  }
0x27: {  	s1 =	sld [smem:$0x3FAF]  }
0x28: {  	s2 =	sld [smem:$0x3FB0]  }
0x29: {  	s4 =	sld [smem:$0x3FB2]  }
0x2a: {  	p0 =	seq.s32 s5, $0x0;
	s5 =	sld [smem:$0x3FB3]  }
0x2b: {  	s6 =	sld [smem:$0x3FB4]  }
0x2c: {  	s7 =	sld [smem:$0x3FB5]  }
0x2d: {  	s3 =	simm.s32 $0x108;
	s8 =	sld [smem:$0x3FB6]  }
0x2e: {  	s3 =	simm.s32 @!p0 $0x1082;
	s9 =	sld [smem:$0x3FB7]  }
0x2f: {  	lr =	sadd.s32 s0, s3;
	s0 =	sld [smem:$0x3FAE]  }
0x30: {  	s3 =	sld [smem:$0x3FB1]  }
0x31: {  	[smem:$0x3FBA] =	sst s10  }
0x32: {  	s10 =	sld [smem:$0x3FB8];
	_ =	sdelay $0x3  }
0x33: {  	p0 =	seq.s32 s10, $0x1;
	s10 =	sld [smem:$0x3FBA];
	_ =	sdelay $0x3  }
0x34: {  	[smem:$0x3FBA] =	sst s10  }
0x35: {  	s10 =	sld [smem:$0x3FB9];
	_ =	sdelay $0x3  }
0x36: {  	p1 =	seq.s32 s10, $0x1;
	s10 =	sld [smem:$0x3FBA];
	_ =	sdelay $0x3  }
0x37: {  	[smem:$0x3FBA] =	sst s10  }
0x38: {  	s10 =	sld [smem:$0x3FBB]  }
0x39: {  	_ = 	snop;
	(pc) =	sbr.ind lr, $3  }
0x3a: {  	_ = 	snop  }
0x3b: {  	_ = 	snop  }
0x3c: {  	p2 =	seq.s32 s10, $0x1;
	s10 =	sld [smem:$0x3FBA]  }
0x3d: {  	_ =	shalt  }
0x3e: {  	_ =	shalt  }
0x3f: {  	_ =	shalt  }
0x40: {  	_ =	shalt  }
0x41: {  	_ =	shalt  }
0x42: {  	_ =	shalt  }
0x43: {  	_ =	shalt  }
0x44: {  	_ =	shalt  }
0x45: {  	_ =	shalt  }
0x46: {  	_ =	shalt  }
0x47: {  	_ =	shalt  }
0x48: {  	_ =	shalt  }
0x49: {  	_ =	shalt  }
0x4a: {  	_ =	shalt  }
0x4b: {  	_ =	shalt  }
0x4c: {  	_ =	shalt  }
0x4d: {  	_ =	shalt  }
0x4e: {  	_ =	shalt  }
0x4f: {  	_ =	shalt  }
0x50: {  	_ =	shalt  }
0x51: {  	_ =	shalt  }
0x52: {  	_ =	shalt  }
0x53: {  	_ =	shalt  }
0x54: {  	_ =	shalt  }
0x55: {  	_ =	shalt  }
0x56: {  	_ =	shalt  }
0x57: {  	_ =	shalt  }
0x58: {  	_ =	shalt  }
0x59: {  	_ =	shalt  }
0x5a: {  	_ =	shalt  }
0x5b: {  	_ =	shalt  }
0x5c: {  	_ =	shalt  }
0x5d: {  	_ =	shalt  }
0x5e: {  	_ =	shalt  }
0x5f: {  	_ =	shalt  }
0x60: {  	_ =	shalt  }
0x61: {  	_ =	shalt  }
0x62: {  	_ =	shalt  }
0x63: {  	_ =	shalt  }
0x64: {  	_ =	shalt  }
0x65: {  	_ =	shalt  }
0x66: {  	_ =	shalt  }
0x67: {  	_ =	shalt  }
0x68: {  	_ =	shalt  }
0x69: {  	_ =	shalt  }
0x6a: {  	_ =	shalt  }
0x6b: {  	_ =	shalt  }
0x6c: {  	_ =	shalt  }
0x6d: {  	_ =	shalt  }
0x6e: {  	_ =	shalt  }
0x6f: {  	_ =	shalt  }
0x70: {  	_ =	shalt  }
0x71: {  	_ =	shalt  }
0x72: {  	_ =	shalt  }
0x73: {  	_ =	shalt  }
0x74: {  	_ =	shalt  }
0x75: {  	_ =	shalt  }
0x76: {  	_ =	shalt  }
0x77: {  	_ =	shalt  }
0x78: {  	_ =	shalt  }
0x79: {  	_ =	shalt  }
0x7a: {  	_ =	shalt  }
0x7b: {  	_ =	shalt  }
0x7c: {  	_ =	shalt  }
0x7d: {  	_ =	shalt  }
0x7e: {  	_ =	shalt  }
0x7f: {  	_ =	shalt  }
0x80: {  	_ =	shalt  }
0x81: {  	_ =	shalt  }
0x82: {  	_ =	shalt  }
0x83: {  	_ =	shalt  }
0x84: {  	_ =	shalt  }
0x85: {  	_ =	shalt  }
0x86: {  	_ =	shalt  }
0x87: {  	_ =	shalt  }
.Lfunc_end0:
.L_simem_size_0:
called_computation_lowered:
.L_overlay_start_0:
0x88: {  	s2 =	sld [smem:$0x3FD9]  }
0x89: {  	s3 =	sld [smem:$0x3FFE];
	_ =	sdelay $0x1  }
0x8a: {  	s1 =	srdreg.scid  }
0x8b: {  	s0 =	sand.u32 $0x1, s1  }
0x8c: {  	s18 =	sshll.u32 s0, $0xA;
	s2 =	sadd.s32 s3, s2  }
0x8d: {  	s2 =	sadd.s32 s2, s18  }
0x8e: {  	[smem:$0x3FC6] =	sst s2  }
0x8f: {  	_ = 	snop  }
0x90: {  	s2 =	sld [smem:$0x3FC9]  }
0x91: {  	s19 =	sld [smem:$0x3FC8]  }
0x92: {  	s4 =	sld [smem:$0x3FD0];
	(tm) =	ssettm $0x1  }
0x93: {  	s5 =	sld [smem:$0x3FFB];
	_ =	sdelay $0x3  }
0x94: {  	_ =	strace s5  }
0x95: {  	s5 =	sld [smem:$0x3FFC];
	_ =	sdelay $0x3  }
0x96: {  	_ =	strace s5  }
0x97: {  	s5 =	sld [smem:$0x3FFD];
	_ =	sdelay $0x3  }
0x98: {  	_ =	strace s5  }
0x99: {  	_ =	strace $0x8FFFFFFF  }
0x9a: {  	s20 =	sld [smem:$0x3FDB];
	_ =	sdelay $0x1  }
0x9b: {  	s6 =	simm.s32 $_scs_section_size  }
0x9c: {  	s7 =	simm.s32 $_size__tile_overlayer_lowered;
	s8 =	simm.s32 $_tile_overlayer_lowered  }
0x9d: {  	s23 =	simm.s32 $0x1BFF;
	s22 =	sshll.u32 s8, $0x1;
	s5 =	sadd.s32 s6, s20  }
0x9e: {  	s9 =	simm.s32 $0x0;
	s21 =	sshll.u32 s7, $0x1;
	s7 =	sadd.s32 s22, s5  }
0x9f: {  	[timem:s9], [sflag:s23] =	dma.local [hbm:s7], s21  }
0xa0: {  	_ =	swait.ge [sflag:s23], s21  }
0xa1: {  	s6 =	ssub.s32 $0x0, s21;
	[sflag:s23] =	ssyncset.done $0x0  }
0xa2: {  	[sflag:s23] =	ssyncadd.s32 s6;
	_ =	sdelay $0x1  }
0xa3: {  	s24 =	simm.s32 $0x1B8B  }
0xa4: {  	_ =	swait.ge [sflag:s24], $0x1  }
0xa5: {  	[sflag:s24] =	ssyncset.done $0x0  }
0xa6: {  	s25 =	simm.s32 $0x1B8E;
	[sflag:s24] =	ssyncadd.s32 $0xFFFFFFFF  }
0xa7: {  	s26 =	simm.s32 $execute0_lowered;
	[smem:$0x3FD2] =	sst s25  }
0xa8: {  	s6 =	sshll.u32 s26, $0x1;
	_ =	strace $0x80000046;
	[dreg:$0x1] =	wrdreg $0xFFFFFFFF  }
0xa9: {  	s28 =	simm.s32 $_size_execute0_lowered;
	s5 =	sadd.s32 s5, s6;
	[dreg:$0x0] =	wrdreg $0x0  }
0xaa: {  	s6 =	sshll.u32 s28, $0x1;
	[dreg:$0x2] =	wrdreg s5  }
0xab: {  	[dreg:$0x3] =	wrdreg s6  }
0xac: {  	[dreg:$0x4] =	wrdreg $0xC0  }
0xad: {  	_ =	task [dreg:s9], $0x5FFFF  }
0xae: {  	[dreg:$0x1] =	wrdreg $0xFFFFFFFF  }
0xaf: {  	[dreg:$0x0] =	wrdreg $0x60  }
0xb0: {  	[dreg:$0x2] =	wrdreg s2  }
0xb1: {  	[dreg:$0x3] =	wrdreg s19  }
0xb2: {  	[dreg:$0x4] =	wrdreg s4  }
0xb3: {  	[dreg:$0x5] =	wrdreg $0x9  }
0xb4: {  	_ =	task.clear_ibuf [dreg:s9], $0x6FFFF;
	_ =	strace $0x90000046  }
0xb5: {  	s29 =	simm.s32 $0x9;
	_ =	strace $0x80000048  }
0xb6: {  	_ =	swait.ge [sflag:s29], $0x1  }
0xb7: {  	[sflag:s29] =	ssyncadd.s32 $0xFFFFFFFF  }
0xb8: {  	_ =	strace $0x90000048  }
0xb9: {  	_ =	sfence  }
0xba: {  	s30 =	sld [smem:$0x0];
	_ =	sdelay $0x2  }
0xbb: {  	s31 =	sshll.u32 s1, $0xD;
	s1 =	sshrl.u32 s1, $0x2  }
0xbc: {  	s3 =	sand.u32 $0x4000, s31;
	s1 =	sadd.s32 s1, s30  }
0xbd: {  	s0 =	sor.u32 s3, s0;
	s1 =	sshll.u32 s1, $0x11  }
0xbe: {  	s0 =	sor.u32 s1, s0  }
0xbf: {  	s0 =	sadd.s32 $0x8F2B, s0  }
0xc0: {  	[sflag:s0] =	ssyncadd.remote.s32 $0x1  }
0xc1: {  	_ =	sfence.sel $0xFFFF  }
0xc2: {  	[dreg:$0x0] =	wrdreg $0xFFFFFFFF;
	(pc) =	sbr.abs _section_cstart, $3  }
0xc3: {  	[dreg:$0x1] =	wrdreg $0xFFFFFFFF  }
0xc4: {  	_ =	task.clear_ibuf [dreg:s9], $0x2FFFF;
	_ =	strace $0x9FFFFFFF  }
0xc5: {  	(tm) =	ssettm $0x7FFFFFFF  }
tec
execute0_lowered:
.L_overlay_start_1:
0x0: {  	(tag) =	ssettag $0x1  }
0x1: {  	s2 =	rddreg [dreg:$0x0]  }
0x2: {  	s1 =	rddreg [dreg:$0x1]  }
0x3: {  	s0 =	rddreg [dreg:$0x2];
	s4 =	srdreg.scid;
	s3 =	simm.s32 $0x0  }
0x4: {  	s11 =	stileid.u32;
	s29 =	simm.s32 $0x4A00;
	s28 =	simm.s32 $0xFE00  }
0x5: {  	s30 =	simm.s32 $0x10600;
	s31 =	simm.s32 $0x1;
	s6 =	sshll.u32 s11, $0x1  }
0x6: {  	s4 =	sand.u32 $0x1, s4;
	s14 =	sshrl.u32 s11, $0x1;
	s6 =	sand.u32 $0x2, s6  }
0x7: {  	[smem:$0x7FF] =	sst s3;
	s10 =	smul.u32 $0x240000, s14;
	s6 =	sor.u32 s4, s6  }
0x8: {  	s16 =	sand.u32 $0x1, s11;
	s15 =	sshll.u32 s6, $0x9;
	s6 =	smul.u32 $0x90000, s6  }
0x9: {  	s5 =	ssub.s32 $0x2, s4;
	_ =	strace $0x80000047;
	s8 =	sshll.u32 s14, $0x4  }
0xa: {  	s17 =	sshll.u32 s16, $0xA;
	s2 =	sadd.s32 s2, s8;
	s18 =	sadd.s32 s10, s6  }
0xb: {  	s4 =	sshll.u32 s4, $0x9;
	s2 =	sadd.s32 s15, s2;
	s19 =	sshrl.u32 s18, $0x3  }
0xc: {  	[dreg:$0xc] =	wrdreg s2;
	s2 =	sor.u32 s4, s17;
	s4 =	sadd.s32 s0, s19  }
0xd: {  	s7 =	sshrl.u32 s5, $0x1;
	s8 =	sadd.s32 $0x400, s1;
	s20 =	sadd.s32 $0xFC00, s4  }
0xe: {  	s9 =	ssub.s32 s5, s7;
	s21 =	sadd.s32 $0x10080, s4;
	[dreg:$0xd] =	wrdreg s20  }
0xf: {  	s5 =	sadd.s32 $0x100, s1;
	s22 =	sadd.s32 $0x10500, s4;
	[dreg:$0xe] =	wrdreg s21  }
0x10: {  	s2 =	sshrl.u32 s2, $0x3;
	s23 =	sadd.s32 $0x10980, s4;
	[dreg:$0xf] =	wrdreg s22  }
0x11: {  	s2 =	smul.u32 $0x2400, s2;
	s24 =	sadd.s32 $0x10E00, s4;
	[dreg:$0x10] =	wrdreg s23  }
0x12: {  	s7 =	sadd.s32 $0x300, s1;
	s12 =	sadd.s32 $0x11280, s4;
	[dreg:$0x11] =	wrdreg s24  }
0x13: {  	s6 =	sadd.s32 $0x200, s1;
	s2 =	sadd.s32 s2, s10;
	[dreg:$0x12] =	wrdreg s12  }
0x14: {  	s24 =	sadd.s32 $0x11700, s4;
	s25 =	sshrl.u32 s2, $0x3;
	s26 =	sor.u32 $0x2400, s2  }
0x15: {  	s13 =	sor.u32 $0x4800, s2;
	s15 =	sor.u32 $0x6C00, s2;
	s16 =	sor.u32 $0x9000, s2  }
0x16: {  	s20 =	sor.u32 $0xB400, s2;
	s22 =	sor.u32 $0xD800, s2;
	s2 =	sor.u32 $0xFC00, s2  }
0x17: {  	[dreg:$0x13] =	wrdreg s24;
	s24 =	simm.s32 $0xDA00;
	s10 =	sadd.s32 s25, s0  }
0x18: {  	s11 =	sshrl.u32 s26, $0x3;
	s14 =	sshrl.u32 s13, $0x3;
	s18 =	sshrl.u32 s16, $0x3  }
0x19: {  	s21 =	sshrl.u32 s20, $0x3;
	s2 =	sshrl.u32 s2, $0x3;
	s25 =	sadd.s32 $0x11B80, s4  }
0x1a: {  	s26 =	smax.u32 s9, $0x1;
	s9 =	simm.s32 $0xA00;
	s13 =	simm.s32 $0x6E00  }
0x1b: {  	s16 =	simm.s32 $0x9200;
	s20 =	simm.s32 $0xB600;
	[dreg:$0x4] =	wrdreg s10  }
0x1c: {  	s12 =	sadd.s32 s11, s0;
	s10 =	sadd.s32 s14, s0;
	[dreg:$0x14] =	wrdreg s25  }
0x1d: {  	s11 =	sshrl.u32 s15, $0x3;
	s19 =	sadd.s32 s18, s0;
	[dreg:$0x15] =	wrdreg s26  }
0x1e: {  	s14 =	simm.s32 $0x2600;
	s15 =	simm.s32 $0x7600;
	[dreg:$0x5] =	wrdreg s12  }
0x1f: {  	s25 =	simm.s32 $0xE200;
	s18 =	simm.s32 $0x2;
	[dreg:$0x6] =	wrdreg s10  }
0x20: {  	s17 =	sadd.s32 s11, s0;
	[dreg:$0x8] =	wrdreg s19;
	s10 =	sadd.s32 s21, s0  }
0x21: {  	s11 =	sshrl.u32 s22, $0x3;
	s22 =	simm.s32 $0x2E00;
	[dreg:$0x7] =	wrdreg s17  }
0x22: {  	s19 =	simm.s32 $0x5200;
	[dreg:$0x9] =	wrdreg s10;
	s23 =	sadd.s32 s11, s0  }
0x23: {  	v0 =	vlaneseq.u32;
	s0 =	sadd.s32 s2, s0;
	s17 =	simm.s32 $0x9A00;
	s2 =	simm.s32 $0x0  }
0x24: {  	vm0 =	vmmov $0xff;
	v1 =	vshrl.u32 v0, $0x3;
	s11 =	simm.s32 $0x4;
	s10 =	simm.s32 $0x3;
	[dreg:$0xa] =	wrdreg s23  }
0x25: {  	vm1 =	vmmov $0xffff;
	v0 =	vand.u32 $0x7, v0;
	v1 =	vmul.u32 $0x8, v1;
	[dreg:$0xb] =	wrdreg s0;
	s0 =	simm.s32 $0x200;
	s23 =	simm.s32 $0xBE00  }
.LBB2_1:
0x26: {  	s12 =	rddreg [dreg:$0xc];
	s21 =	simm.s32 $0x80;
	s26 =	simm.s32 $0x400  }
0x27: {  	[tilespmem:s3], [sflag:$0x11] =	stream.strided.gather [hbm4b:s12+s21], $0x200, s26, s21, $0x38;
	[tilespmem:$0x12200] =	vst v63  }
0x28: {  	[dreg:$0x16] =	wrdreg s2;
	s21 =	simm.s32 $0x11  }
0x29: {  	_ =	swait.ge [sflag:s21], $0x200  }
0x2a: {  	[sflag:s21] =	ssyncset.done $0x0  }
0x2b: {  	[sflag:s21] =	ssyncadd.s32 $0xFFFFFE00  }
0x2c: {  	v2 =	vld.msk [tilespmem:$0x0], $0xff;
	_ =	sdelay $0x4  }
0x2d: {  	v3 =	vshrl.u32 v2, $0x3  }
0x2e: {  	v3 =	vmul.u32 $0x48, v3  }
0x2f: {  	v2 =	vand.u32 $0x7, v2  }
0x30: {  	v2 =	vor.u32 v2, v3  }
0x31: {  	v2 =	vperm.xlane v2, v0;
	_ =	sdelay $0x1  }
0x32: {  	v2 =	vadd.s32 v1, v2;
	_ =	sdelay $0x4  }
0x33: {  	[tilespmem:s0], [sflag:$0x1] =	stream.indirect_vreg.gather [hbm4b:s1+s3], $0x80, v2, vm1, $0xb8;
	[tilespmem:$0x12200] =	vst v63  }
0x34: {  	_ = 	snop  }
0x35: {  	[tilespmem:s9], [sflag:$0x1] =	stream.indirect_vreg.gather [hbm4b:s5+s3], $0x80, v2, vm1, $0xb8;
	[tilespmem:$0x12200] =	vst v63  }
0x36: {  	s26 =	simm.s32 $0x1200  }
0x37: {  	[tilespmem:s26], [sflag:$0x1] =	stream.indirect_vreg.gather [hbm4b:s6+s3], $0x80, v2, vm1, $0xb8;
	[tilespmem:$0x12200] =	vst v63  }
0x38: {  	s9 =	simm.s32 $0x1A00  }
0x39: {  	[tilespmem:s9], [sflag:$0x1] =	stream.indirect_vreg.gather [hbm4b:s7+s3], $0x80, v2, vm1, $0xb8;
	[tilespmem:$0x12200] =	vst v63  }
0x3a: {  	s12 =	simm.s32 $0x2200  }
0x3b: {  	[tilespmem:s12], [sflag:$0x1] =	stream.indirect_vreg.gather [hbm4b:s8+s3], $0x80, v2, vm0, $0xb8;
	[tilespmem:$0x12200] =	vst v63  }
0x3c: {  	v2 =	vld.msk [tilespmem:$0x8], $0xff;
	_ =	sdelay $0x4  }
0x3d: {  	v3 =	vshrl.u32 v2, $0x3  }
0x3e: {  	v3 =	vmul.u32 $0x48, v3  }
0x3f: {  	v2 =	vand.u32 $0x7, v2  }
0x40: {  	v2 =	vor.u32 v2, v3  }
0x41: {  	v2 =	vperm.xlane v2, v0;
	_ =	sdelay $0x1  }
0x42: {  	v2 =	vadd.s32 v1, v2;
	_ =	sdelay $0x4  }
0x43: {  	[tilespmem:s14], [sflag:$0x2] =	stream.indirect_vreg.gather [hbm4b:s1+s3], $0x80, v2, vm1, $0xb8;
	[tilespmem:$0x12200] =	vst v63  }
0x44: {  	_ = 	snop  }
0x45: {  	[tilespmem:s22], [sflag:$0x2] =	stream.indirect_vreg.gather [hbm4b:s5+s3], $0x80, v2, vm1, $0xb8;
	[tilespmem:$0x12200] =	vst v63  }
0x46: {  	s21 =	simm.s32 $0x3600  }
0x47: {  	[tilespmem:s21], [sflag:$0x2] =	stream.indirect_vreg.gather [hbm4b:s6+s3], $0x80, v2, vm1, $0xb8;
	[tilespmem:$0x12200] =	vst v63  }
0x48: {  	s22 =	simm.s32 $0x3E00  }
0x49: {  	[tilespmem:s22], [sflag:$0x2] =	stream.indirect_vreg.gather [hbm4b:s7+s3], $0x80, v2, vm1, $0xb8;
	[tilespmem:$0x12200] =	vst v63  }
0x4a: {  	s26 =	simm.s32 $0x4600  }
0x4b: {  	[tilespmem:s26], [sflag:$0x2] =	stream.indirect_vreg.gather [hbm4b:s8+s3], $0x80, v2, vm0, $0xb8;
	[tilespmem:$0x12200] =	vst v63  }
0x4c: {  	v2 =	vld.msk [tilespmem:$0x10], $0xff;
	_ =	sdelay $0x4  }
0x4d: {  	v3 =	vshrl.u32 v2, $0x3  }
0x4e: {  	v3 =	vmul.u32 $0x48, v3  }
0x4f: {  	v2 =	vand.u32 $0x7, v2  }
0x50: {  	v2 =	vor.u32 v2, v3  }
0x51: {  	v2 =	vperm.xlane v2, v0;
	_ =	sdelay $0x1  }
0x52: {  	v2 =	vadd.s32 v1, v2;
	_ =	sdelay $0x4  }
0x53: {  	[tilespmem:s29], [sflag:$0x3] =	stream.indirect_vreg.gather [hbm4b:s1+s3], $0x80, v2, vm1, $0xb8;
	[tilespmem:$0x12200] =	vst v63  }
0x54: {  	_ = 	snop  }
0x55: {  	[tilespmem:s19], [sflag:$0x3] =	stream.indirect_vreg.gather [hbm4b:s5+s3], $0x80, v2, vm1, $0xb8;
	[tilespmem:$0x12200] =	vst v63  }
0x56: {  	s29 =	simm.s32 $0x5A00  }
0x57: {  	[tilespmem:s29], [sflag:$0x3] =	stream.indirect_vreg.gather [hbm4b:s6+s3], $0x80, v2, vm1, $0xb8;
	[tilespmem:$0x12200] =	vst v63  }
0x58: {  	s9 =	simm.s32 $0x6200  }
0x59: {  	[tilespmem:s9], [sflag:$0x3] =	stream.indirect_vreg.gather [hbm4b:s7+s3], $0x80, v2, vm1, $0xb8;
	[tilespmem:$0x12200] =	vst v63  }
0x5a: {  	s12 =	simm.s32 $0x6A00  }
0x5b: {  	[tilespmem:s12], [sflag:$0x3] =	stream.indirect_vreg.gather [hbm4b:s8+s3], $0x80, v2, vm0, $0xb8;
	[tilespmem:$0x12200] =	vst v63  }
0x5c: {  	v2 =	vld.msk [tilespmem:$0x18], $0xff;
	_ =	sdelay $0x4  }
0x5d: {  	v3 =	vshrl.u32 v2, $0x3  }
0x5e: {  	v3 =	vmul.u32 $0x48, v3  }
0x5f: {  	v2 =	vand.u32 $0x7, v2  }
0x60: {  	v2 =	vor.u32 v2, v3  }
0x61: {  	v2 =	vperm.xlane v2, v0;
	_ =	sdelay $0x1  }
0x62: {  	v2 =	vadd.s32 v1, v2;
	_ =	sdelay $0x4  }
0x63: {  	[tilespmem:s13], [sflag:$0x4] =	stream.indirect_vreg.gather [hbm4b:s1+s3], $0x80, v2, vm1, $0xb8;
	[tilespmem:$0x12200] =	vst v63  }
0x64: {  	_ = 	snop  }
0x65: {  	[tilespmem:s15], [sflag:$0x4] =	stream.indirect_vreg.gather [hbm4b:s5+s3], $0x80, v2, vm1, $0xb8;
	[tilespmem:$0x12200] =	vst v63  }
0x66: {  	s13 =	simm.s32 $0x7E00  }
0x67: {  	[tilespmem:s13], [sflag:$0x4] =	stream.indirect_vreg.gather [hbm4b:s6+s3], $0x80, v2, vm1, $0xb8;
	[tilespmem:$0x12200] =	vst v63  }
0x68: {  	s14 =	simm.s32 $0x8600  }
0x69: {  	[tilespmem:s14], [sflag:$0x4] =	stream.indirect_vreg.gather [hbm4b:s7+s3], $0x80, v2, vm1, $0xb8;
	[tilespmem:$0x12200] =	vst v63  }
0x6a: {  	s15 =	simm.s32 $0x8E00  }
0x6b: {  	[tilespmem:s15], [sflag:$0x4] =	stream.indirect_vreg.gather [hbm4b:s8+s3], $0x80, v2, vm0, $0xb8;
	[tilespmem:$0x12200] =	vst v63  }
0x6c: {  	v2 =	vld.msk [tilespmem:$0x20], $0xff;
	_ =	sdelay $0x4  }
0x6d: {  	v3 =	vshrl.u32 v2, $0x3  }
0x6e: {  	v3 =	vmul.u32 $0x48, v3  }
0x6f: {  	v2 =	vand.u32 $0x7, v2  }
0x70: {  	v2 =	vor.u32 v2, v3  }
0x71: {  	v2 =	vperm.xlane v2, v0;
	_ =	sdelay $0x1  }
0x72: {  	v2 =	vadd.s32 v1, v2;
	_ =	sdelay $0x4  }
0x73: {  	[tilespmem:s16], [sflag:$0x5] =	stream.indirect_vreg.gather [hbm4b:s1+s3], $0x80, v2, vm1, $0xb8;
	[tilespmem:$0x12200] =	vst v63  }
0x74: {  	_ = 	snop  }
0x75: {  	[tilespmem:s17], [sflag:$0x5] =	stream.indirect_vreg.gather [hbm4b:s5+s3], $0x80, v2, vm1, $0xb8;
	[tilespmem:$0x12200] =	vst v63  }
0x76: {  	s16 =	simm.s32 $0xA200  }
0x77: {  	[tilespmem:s16], [sflag:$0x5] =	stream.indirect_vreg.gather [hbm4b:s6+s3], $0x80, v2, vm1, $0xb8;
	[tilespmem:$0x12200] =	vst v63  }
0x78: {  	s17 =	simm.s32 $0xAA00  }
0x79: {  	[tilespmem:s17], [sflag:$0x5] =	stream.indirect_vreg.gather [hbm4b:s7+s3], $0x80, v2, vm1, $0xb8;
	[tilespmem:$0x12200] =	vst v63  }
0x7a: {  	s19 =	simm.s32 $0xB200  }
0x7b: {  	[tilespmem:s19], [sflag:$0x5] =	stream.indirect_vreg.gather [hbm4b:s8+s3], $0x80, v2, vm0, $0xb8;
	[tilespmem:$0x12200] =	vst v63  }
0x7c: {  	v2 =	vld.msk [tilespmem:$0x28], $0xff;
	_ =	sdelay $0x4  }
0x7d: {  	v3 =	vshrl.u32 v2, $0x3  }
0x7e: {  	v3 =	vmul.u32 $0x48, v3  }
0x7f: {  	v2 =	vand.u32 $0x7, v2  }
0x80: {  	v2 =	vor.u32 v2, v3  }
0x81: {  	v2 =	vperm.xlane v2, v0;
	_ =	sdelay $0x1  }
0x82: {  	v2 =	vadd.s32 v1, v2;
	_ =	sdelay $0x4  }
0x83: {  	[tilespmem:s20], [sflag:$0x6] =	stream.indirect_vreg.gather [hbm4b:s1+s3], $0x80, v2, vm1, $0xb8;
	[tilespmem:$0x12200] =	vst v63  }
0x84: {  	_ = 	snop  }
0x85: {  	[tilespmem:s23], [sflag:$0x6] =	stream.indirect_vreg.gather [hbm4b:s5+s3], $0x80, v2, vm1, $0xb8;
	[tilespmem:$0x12200] =	vst v63  }
0x86: {  	s21 =	simm.s32 $0xC600  }
0x87: {  	[tilespmem:s21], [sflag:$0x6] =	stream.indirect_vreg.gather [hbm4b:s6+s3], $0x80, v2, vm1, $0xb8;
	[tilespmem:$0x12200] =	vst v63  }
0x88: {  	s22 =	simm.s32 $0xCE00  }
0x89: {  	[tilespmem:s22], [sflag:$0x6] =	stream.indirect_vreg.gather [hbm4b:s7+s3], $0x80, v2, vm1, $0xb8;
	[tilespmem:$0x12200] =	vst v63  }
0x8a: {  	s23 =	simm.s32 $0xD600  }
0x8b: {  	[tilespmem:s23], [sflag:$0x6] =	stream.indirect_vreg.gather [hbm4b:s8+s3], $0x80, v2, vm0, $0xb8;
	[tilespmem:$0x12200] =	vst v63  }
0x8c: {  	v2 =	vld.msk [tilespmem:$0x30], $0xff;
	_ =	sdelay $0x4  }
0x8d: {  	v3 =	vshrl.u32 v2, $0x3  }
0x8e: {  	v3 =	vmul.u32 $0x48, v3  }
0x8f: {  	v2 =	vand.u32 $0x7, v2  }
0x90: {  	v2 =	vor.u32 v2, v3  }
0x91: {  	v2 =	vperm.xlane v2, v0;
	_ =	sdelay $0x1  }
0x92: {  	v2 =	vadd.s32 v1, v2;
	_ =	sdelay $0x4  }
0x93: {  	[tilespmem:s24], [sflag:$0x7] =	stream.indirect_vreg.gather [hbm4b:s1+s3], $0x80, v2, vm1, $0xb8;
	[tilespmem:$0x12200] =	vst v63  }
0x94: {  	_ = 	snop  }
0x95: {  	[tilespmem:s25], [sflag:$0x7] =	stream.indirect_vreg.gather [hbm4b:s5+s3], $0x80, v2, vm1, $0xb8;
	[tilespmem:$0x12200] =	vst v63  }
0x96: {  	s24 =	simm.s32 $0xEA00  }
0x97: {  	[tilespmem:s24], [sflag:$0x7] =	stream.indirect_vreg.gather [hbm4b:s6+s3], $0x80, v2, vm1, $0xb8;
	[tilespmem:$0x12200] =	vst v63  }
0x98: {  	s25 =	simm.s32 $0xF200  }
0x99: {  	[tilespmem:s25], [sflag:$0x7] =	stream.indirect_vreg.gather [hbm4b:s7+s3], $0x80, v2, vm1, $0xb8;
	[tilespmem:$0x12200] =	vst v63  }
0x9a: {  	s26 =	simm.s32 $0xFA00  }
0x9b: {  	[tilespmem:s26], [sflag:$0x7] =	stream.indirect_vreg.gather [hbm4b:s8+s3], $0x80, v2, vm0, $0xb8;
	[tilespmem:$0x12200] =	vst v63  }
0x9c: {  	v2 =	vld.msk [tilespmem:$0x38], $0xff;
	_ =	sdelay $0x4  }
0x9d: {  	v3 =	vshrl.u32 v2, $0x3  }
0x9e: {  	v3 =	vmul.u32 $0x48, v3  }
0x9f: {  	v2 =	vand.u32 $0x7, v2  }
0xa0: {  	v2 =	vor.u32 v2, v3  }
0xa1: {  	v2 =	vperm.xlane v2, v0;
	_ =	sdelay $0x1  }
0xa2: {  	v2 =	vadd.s32 v1, v2;
	_ =	sdelay $0x4  }
0xa3: {  	[tilespmem:s28], [sflag:$0x8] =	stream.indirect_vreg.gather [hbm4b:s1+s3], $0x80, v2, vm1, $0xb8;
	[tilespmem:$0x12200] =	vst v63  }
0xa4: {  	_ = 	snop  }
0xa5: {  	[tilespmem:s30], [sflag:$0x8] =	stream.indirect_vreg.gather [hbm4b:s5+s3], $0x80, v2, vm1, $0xb8;
	[tilespmem:$0x12200] =	vst v63  }
0xa6: {  	s28 =	simm.s32 $0x10E00  }
0xa7: {  	[tilespmem:s28], [sflag:$0x8] =	stream.indirect_vreg.gather [hbm4b:s6+s3], $0x80, v2, vm1, $0xb8;
	[tilespmem:$0x12200] =	vst v63  }
0xa8: {  	s2 =	simm.s32 $0x6;
	s4 =	simm.s32 $0x5;
	s29 =	simm.s32 $0x11600  }
0xa9: {  	[tilespmem:s29], [sflag:$0x8] =	stream.indirect_vreg.gather [hbm4b:s7+s3], $0x80, v2, vm1, $0xb8;
	[tilespmem:$0x12200] =	vst v63  }
0xaa: {  	s12 =	simm.s32 $0x78;
	s21 =	simm.s32 $0x0;
	s30 =	simm.s32 $0x11E00  }
0xab: {  	[tilespmem:s30], [sflag:$0x8] =	stream.indirect_vreg.gather [hbm4b:s8+s3], $0x80, v2, vm0, $0xb8;
	[tilespmem:$0x12200] =	vst v63  }
.LBB2_2:
0xac: {  	_ =	swait.ge [sflag:s31], $0x2400  }
0xad: {  	s9 =	simm.s32 $0x200;
	s26 =	rddreg [dreg:$0x4];
	[sflag:s31] =	ssyncset.done $0x0  }
0xae: {  	s0 =	simm.s32 $0x9;
	[sflag:s31] =	ssyncadd.s32 $0xFFFFDC00;
	s26 =	sadd.s32 s21, s26  }
0xaf: {  	[hbm4b:s26+s3] =	stream.linear.scatter [tilespmem:s9], [sflag:$0x9], $0x2400, $0x38;
	[tilespmem:$0x12200] =	vst v63  }
0xb0: {  	_ =	swait.ge [sflag:s0], $0x2400  }
0xb1: {  	[sflag:s0] =	ssyncset.done $0x0  }
0xb2: {  	[sflag:s0] =	ssyncadd.s32 $0xFFFFDC00  }
0xb3: {  	v2 =	vld.msk [tilespmem:s12+$0xFFFFFFC8], $0xff;
	_ =	sdelay $0x4  }
0xb4: {  	v3 =	vshrl.u32 v2, $0x3  }
0xb5: {  	v3 =	vmul.u32 $0x48, v3  }
0xb6: {  	v2 =	vand.u32 $0x7, v2  }
0xb7: {  	v2 =	vor.u32 v2, v3  }
0xb8: {  	v2 =	vperm.xlane v2, v0;
	_ =	sdelay $0x1  }
0xb9: {  	v2 =	vadd.s32 v1, v2;
	_ =	sdelay $0x4  }
0xba: {  	[tilespmem:s9], [sflag:$0x1] =	stream.indirect_vreg.gather [hbm4b:s1+s3], $0x80, v2, vm1, $0xb8;
	[tilespmem:$0x12200] =	vst v63  }
0xbb: {  	s9 =	simm.s32 $0xA00  }
0xbc: {  	[tilespmem:s9], [sflag:$0x1] =	stream.indirect_vreg.gather [hbm4b:s5+s3], $0x80, v2, vm1, $0xb8;
	[tilespmem:$0x12200] =	vst v63  }
0xbd: {  	s13 =	simm.s32 $0x1200  }
0xbe: {  	[tilespmem:s13], [sflag:$0x1] =	stream.indirect_vreg.gather [hbm4b:s6+s3], $0x80, v2, vm1, $0xb8;
	[tilespmem:$0x12200] =	vst v63  }
0xbf: {  	s26 =	simm.s32 $0x1A00  }
0xc0: {  	[tilespmem:s26], [sflag:$0x1] =	stream.indirect_vreg.gather [hbm4b:s7+s3], $0x80, v2, vm1, $0xb8;
	[tilespmem:$0x12200] =	vst v63  }
0xc1: {  	s14 =	simm.s32 $0x2200  }
0xc2: {  	[tilespmem:s14], [sflag:$0x1] =	stream.indirect_vreg.gather [hbm4b:s8+s3], $0x80, v2, vm0, $0xb8;
	[tilespmem:$0x12200] =	vst v63  }
0xc3: {  	_ =	swait.ge [sflag:s18], $0x2400  }
0xc4: {  	s22 =	simm.s32 $0x2600;
	s15 =	rddreg [dreg:$0x5];
	[sflag:s18] =	ssyncset.done $0x0  }
0xc5: {  	s16 =	simm.s32 $0xA;
	[sflag:s18] =	ssyncadd.s32 $0xFFFFDC00;
	s26 =	sadd.s32 s21, s15  }
0xc6: {  	[hbm4b:s26+s3] =	stream.linear.scatter [tilespmem:s22], [sflag:$0xA], $0x2400, $0x38;
	[tilespmem:$0x12200] =	vst v63  }
0xc7: {  	_ =	swait.ge [sflag:s16], $0x2400  }
0xc8: {  	[sflag:s16] =	ssyncset.done $0x0  }
0xc9: {  	[sflag:s16] =	ssyncadd.s32 $0xFFFFDC00  }
0xca: {  	v2 =	vld.msk [tilespmem:s12+$0xFFFFFFD0], $0xff;
	_ =	sdelay $0x4  }
0xcb: {  	v3 =	vshrl.u32 v2, $0x3  }
0xcc: {  	v3 =	vmul.u32 $0x48, v3  }
0xcd: {  	v2 =	vand.u32 $0x7, v2  }
0xce: {  	v2 =	vor.u32 v2, v3  }
0xcf: {  	v2 =	vperm.xlane v2, v0;
	_ =	sdelay $0x1  }
0xd0: {  	v2 =	vadd.s32 v1, v2;
	_ =	sdelay $0x4  }
0xd1: {  	[tilespmem:s22], [sflag:$0x2] =	stream.indirect_vreg.gather [hbm4b:s1+s3], $0x80, v2, vm1, $0xb8;
	[tilespmem:$0x12200] =	vst v63  }
0xd2: {  	s22 =	simm.s32 $0x2E00  }
0xd3: {  	[tilespmem:s22], [sflag:$0x2] =	stream.indirect_vreg.gather [hbm4b:s5+s3], $0x80, v2, vm1, $0xb8;
	[tilespmem:$0x12200] =	vst v63  }
0xd4: {  	s17 =	simm.s32 $0x3600  }
0xd5: {  	[tilespmem:s17], [sflag:$0x2] =	stream.indirect_vreg.gather [hbm4b:s6+s3], $0x80, v2, vm1, $0xb8;
	[tilespmem:$0x12200] =	vst v63  }
0xd6: {  	s19 =	simm.s32 $0x3E00  }
0xd7: {  	[tilespmem:s19], [sflag:$0x2] =	stream.indirect_vreg.gather [hbm4b:s7+s3], $0x80, v2, vm1, $0xb8;
	[tilespmem:$0x12200] =	vst v63  }
0xd8: {  	s20 =	simm.s32 $0x4600  }
0xd9: {  	[tilespmem:s20], [sflag:$0x2] =	stream.indirect_vreg.gather [hbm4b:s8+s3], $0x80, v2, vm0, $0xb8;
	[tilespmem:$0x12200] =	vst v63  }
0xda: {  	_ =	swait.ge [sflag:s10], $0x2400  }
0xdb: {  	s24 =	simm.s32 $0xB;
	s23 =	rddreg [dreg:$0x6];
	[sflag:s10] =	ssyncset.done $0x0  }
0xdc: {  	s19 =	simm.s32 $0x4A00;
	[sflag:s10] =	ssyncadd.s32 $0xFFFFDC00;
	s26 =	sadd.s32 s21, s23  }
0xdd: {  	[hbm4b:s26+s3] =	stream.linear.scatter [tilespmem:s19], [sflag:$0xB], $0x2400, $0x38;
	[tilespmem:$0x12200] =	vst v63  }
0xde: {  	_ =	swait.ge [sflag:s24], $0x2400  }
0xdf: {  	[sflag:s24] =	ssyncset.done $0x0  }
0xe0: {  	[sflag:s24] =	ssyncadd.s32 $0xFFFFDC00  }
0xe1: {  	v2 =	vld.msk [tilespmem:s12+$0xFFFFFFD8], $0xff;
	_ =	sdelay $0x4  }
0xe2: {  	v3 =	vshrl.u32 v2, $0x3  }
0xe3: {  	v3 =	vmul.u32 $0x48, v3  }
0xe4: {  	v2 =	vand.u32 $0x7, v2  }
0xe5: {  	v2 =	vor.u32 v2, v3  }
0xe6: {  	v2 =	vperm.xlane v2, v0;
	_ =	sdelay $0x1  }
0xe7: {  	v2 =	vadd.s32 v1, v2;
	_ =	sdelay $0x4  }
0xe8: {  	[tilespmem:s19], [sflag:$0x3] =	stream.indirect_vreg.gather [hbm4b:s1+s3], $0x80, v2, vm1, $0xb8;
	[tilespmem:$0x12200] =	vst v63  }
0xe9: {  	s19 =	simm.s32 $0x5200  }
0xea: {  	[tilespmem:s19], [sflag:$0x3] =	stream.indirect_vreg.gather [hbm4b:s5+s3], $0x80, v2, vm1, $0xb8;
	[tilespmem:$0x12200] =	vst v63  }
0xeb: {  	s25 =	simm.s32 $0x5A00  }
0xec: {  	[tilespmem:s25], [sflag:$0x3] =	stream.indirect_vreg.gather [hbm4b:s6+s3], $0x80, v2, vm1, $0xb8;
	[tilespmem:$0x12200] =	vst v63  }
0xed: {  	s26 =	simm.s32 $0x6200  }
0xee: {  	[tilespmem:s26], [sflag:$0x3] =	stream.indirect_vreg.gather [hbm4b:s7+s3], $0x80, v2, vm1, $0xb8;
	[tilespmem:$0x12200] =	vst v63  }
0xef: {  	s15 =	simm.s32 $0x6A00  }
0xf0: {  	[tilespmem:s15], [sflag:$0x3] =	stream.indirect_vreg.gather [hbm4b:s8+s3], $0x80, v2, vm0, $0xb8;
	[tilespmem:$0x12200] =	vst v63  }
0xf1: {  	_ =	swait.ge [sflag:s11], $0x2400  }
0xf2: {  	s17 =	simm.s32 $0xC;
	s16 =	rddreg [dreg:$0x7];
	[sflag:s11] =	ssyncset.done $0x0  }
0xf3: {  	s15 =	simm.s32 $0x6E00;
	[sflag:s11] =	ssyncadd.s32 $0xFFFFDC00;
	s26 =	sadd.s32 s21, s16  }
0xf4: {  	[hbm4b:s26+s3] =	stream.linear.scatter [tilespmem:s15], [sflag:$0xC], $0x2400, $0x38;
	[tilespmem:$0x12200] =	vst v63  }
0xf5: {  	_ =	swait.ge [sflag:s17], $0x2400  }
0xf6: {  	[sflag:s17] =	ssyncset.done $0x0  }
0xf7: {  	[sflag:s17] =	ssyncadd.s32 $0xFFFFDC00  }
0xf8: {  	v2 =	vld.msk [tilespmem:s12+$0xFFFFFFE0], $0xff;
	_ =	sdelay $0x4  }
0xf9: {  	v3 =	vshrl.u32 v2, $0x3  }
0xfa: {  	v3 =	vmul.u32 $0x48, v3  }
0xfb: {  	v2 =	vand.u32 $0x7, v2  }
0xfc: {  	v2 =	vor.u32 v2, v3  }
0xfd: {  	v2 =	vperm.xlane v2, v0;
	_ =	sdelay $0x1  }
0xfe: {  	v2 =	vadd.s32 v1, v2;
	_ =	sdelay $0x4  }
0xff: {  	[tilespmem:s15], [sflag:$0x4] =	stream.indirect_vreg.gather [hbm4b:s1+s3], $0x80, v2, vm1, $0xb8;
	[tilespmem:$0x12200] =	vst v63  }
0x100: {  	s15 =	simm.s32 $0x7600  }
0x101: {  	[tilespmem:s15], [sflag:$0x4] =	stream.indirect_vreg.gather [hbm4b:s5+s3], $0x80, v2, vm1, $0xb8;
	[tilespmem:$0x12200] =	vst v63  }
0x102: {  	s16 =	simm.s32 $0x7E00  }
0x103: {  	[tilespmem:s16], [sflag:$0x4] =	stream.indirect_vreg.gather [hbm4b:s6+s3], $0x80, v2, vm1, $0xb8;
	[tilespmem:$0x12200] =	vst v63  }
0x104: {  	s20 =	simm.s32 $0x8600  }
0x105: {  	[tilespmem:s20], [sflag:$0x4] =	stream.indirect_vreg.gather [hbm4b:s7+s3], $0x80, v2, vm1, $0xb8;
	[tilespmem:$0x12200] =	vst v63  }
0x106: {  	s23 =	simm.s32 $0x8E00  }
0x107: {  	[tilespmem:s23], [sflag:$0x4] =	stream.indirect_vreg.gather [hbm4b:s8+s3], $0x80, v2, vm0, $0xb8;
	[tilespmem:$0x12200] =	vst v63  }
0x108: {  	_ =	swait.ge [sflag:s4], $0x2400  }
0x109: {  	s25 =	simm.s32 $0xD;
	s24 =	rddreg [dreg:$0x8];
	[sflag:s4] =	ssyncset.done $0x0  }
0x10a: {  	s17 =	simm.s32 $0x9200;
	[sflag:s4] =	ssyncadd.s32 $0xFFFFDC00;
	s26 =	sadd.s32 s21, s24  }
0x10b: {  	[hbm4b:s26+s3] =	stream.linear.scatter [tilespmem:s17], [sflag:$0xD], $0x2400, $0x38;
	[tilespmem:$0x12200] =	vst v63  }
0x10c: {  	_ =	swait.ge [sflag:s25], $0x2400  }
0x10d: {  	[sflag:s25] =	ssyncset.done $0x0  }
0x10e: {  	[sflag:s25] =	ssyncadd.s32 $0xFFFFDC00  }
0x10f: {  	v2 =	vld.msk [tilespmem:s12+$0xFFFFFFE8], $0xff;
	_ =	sdelay $0x4  }
0x110: {  	v3 =	vshrl.u32 v2, $0x3  }
0x111: {  	v3 =	vmul.u32 $0x48, v3  }
0x112: {  	v2 =	vand.u32 $0x7, v2  }
0x113: {  	v2 =	vor.u32 v2, v3  }
0x114: {  	v2 =	vperm.xlane v2, v0;
	_ =	sdelay $0x1  }
0x115: {  	v2 =	vadd.s32 v1, v2;
	_ =	sdelay $0x4  }
0x116: {  	[tilespmem:s17], [sflag:$0x5] =	stream.indirect_vreg.gather [hbm4b:s1+s3], $0x80, v2, vm1, $0xb8;
	[tilespmem:$0x12200] =	vst v63  }
0x117: {  	s17 =	simm.s32 $0x9A00  }
0x118: {  	[tilespmem:s17], [sflag:$0x5] =	stream.indirect_vreg.gather [hbm4b:s5+s3], $0x80, v2, vm1, $0xb8;
	[tilespmem:$0x12200] =	vst v63  }
0x119: {  	s20 =	simm.s32 $0xA200  }
0x11a: {  	[tilespmem:s20], [sflag:$0x5] =	stream.indirect_vreg.gather [hbm4b:s6+s3], $0x80, v2, vm1, $0xb8;
	[tilespmem:$0x12200] =	vst v63  }
0x11b: {  	s26 =	simm.s32 $0xAA00  }
0x11c: {  	[tilespmem:s26], [sflag:$0x5] =	stream.indirect_vreg.gather [hbm4b:s7+s3], $0x80, v2, vm1, $0xb8;
	[tilespmem:$0x12200] =	vst v63  }
0x11d: {  	s23 =	simm.s32 $0xB200  }
0x11e: {  	[tilespmem:s23], [sflag:$0x5] =	stream.indirect_vreg.gather [hbm4b:s8+s3], $0x80, v2, vm0, $0xb8;
	[tilespmem:$0x12200] =	vst v63  }
0x11f: {  	_ =	swait.ge [sflag:s2], $0x2400  }
0x120: {  	s25 =	simm.s32 $0xE;
	s24 =	rddreg [dreg:$0x9];
	[sflag:s2] =	ssyncset.done $0x0  }
0x121: {  	s23 =	simm.s32 $0xB600;
	[sflag:s2] =	ssyncadd.s32 $0xFFFFDC00;
	s26 =	sadd.s32 s21, s24  }
0x122: {  	[hbm4b:s26+s3] =	stream.linear.scatter [tilespmem:s23], [sflag:$0xE], $0x2400, $0x38;
	[tilespmem:$0x12200] =	vst v63  }
0x123: {  	_ =	swait.ge [sflag:s25], $0x2400  }
0x124: {  	[sflag:s25] =	ssyncset.done $0x0  }
0x125: {  	[sflag:s25] =	ssyncadd.s32 $0xFFFFDC00  }
0x126: {  	v2 =	vld.msk [tilespmem:s12+$0xFFFFFFF0], $0xff;
	_ =	sdelay $0x4  }
0x127: {  	v3 =	vshrl.u32 v2, $0x3  }
0x128: {  	v3 =	vmul.u32 $0x48, v3  }
0x129: {  	v2 =	vand.u32 $0x7, v2  }
0x12a: {  	v2 =	vor.u32 v2, v3  }
0x12b: {  	v2 =	vperm.xlane v2, v0;
	_ =	sdelay $0x1  }
0x12c: {  	v2 =	vadd.s32 v1, v2;
	_ =	sdelay $0x4  }
0x12d: {  	[tilespmem:s23], [sflag:$0x6] =	stream.indirect_vreg.gather [hbm4b:s1+s3], $0x80, v2, vm1, $0xb8;
	[tilespmem:$0x12200] =	vst v63  }
0x12e: {  	s23 =	simm.s32 $0xBE00  }
0x12f: {  	[tilespmem:s23], [sflag:$0x6] =	stream.indirect_vreg.gather [hbm4b:s5+s3], $0x80, v2, vm1, $0xb8;
	[tilespmem:$0x12200] =	vst v63  }
0x130: {  	s24 =	simm.s32 $0xC600  }
0x131: {  	[tilespmem:s24], [sflag:$0x6] =	stream.indirect_vreg.gather [hbm4b:s6+s3], $0x80, v2, vm1, $0xb8;
	[tilespmem:$0x12200] =	vst v63  }
0x132: {  	s26 =	simm.s32 $0xCE00  }
0x133: {  	[tilespmem:s26], [sflag:$0x6] =	stream.indirect_vreg.gather [hbm4b:s7+s3], $0x80, v2, vm1, $0xb8;
	[tilespmem:$0x12200] =	vst v63  }
0x134: {  	s25 =	simm.s32 $0xD600;
	s26 =	simm.s32 $0x7  }
0x135: {  	[tilespmem:s25], [sflag:$0x6] =	stream.indirect_vreg.gather [hbm4b:s8+s3], $0x80, v2, vm0, $0xb8;
	[tilespmem:$0x12200] =	vst v63  }
0x136: {  	_ =	swait.ge [sflag:s26], $0x2400  }
0x137: {  	s25 =	rddreg [dreg:$0xa];
	[sflag:s26] =	ssyncset.done $0x0  }
0x138: {  	[sflag:s26] =	ssyncadd.s32 $0xFFFFDC00;
	s26 =	sadd.s32 s21, s25;
	s25 =	simm.s32 $0xDA00  }
0x139: {  	[hbm4b:s26+s3] =	stream.linear.scatter [tilespmem:s25], [sflag:$0xF], $0x2400, $0x38;
	[tilespmem:$0x12200] =	vst v63  }
0x13a: {  	s26 =	simm.s32 $0xF  }
0x13b: {  	_ =	swait.ge [sflag:s26], $0x2400  }
0x13c: {  	[sflag:s26] =	ssyncset.done $0x0  }
0x13d: {  	[sflag:s26] =	ssyncadd.s32 $0xFFFFDC00  }
0x13e: {  	v2 =	vld.msk [tilespmem:s12+$0xFFFFFFF8], $0xff;
	_ =	sdelay $0x4  }
0x13f: {  	v3 =	vshrl.u32 v2, $0x3  }
0x140: {  	v3 =	vmul.u32 $0x48, v3  }
0x141: {  	v2 =	vand.u32 $0x7, v2  }
0x142: {  	v2 =	vor.u32 v2, v3  }
0x143: {  	v2 =	vperm.xlane v2, v0;
	_ =	sdelay $0x1  }
0x144: {  	v2 =	vadd.s32 v1, v2;
	_ =	sdelay $0x4  }
0x145: {  	[tilespmem:s25], [sflag:$0x7] =	stream.indirect_vreg.gather [hbm4b:s1+s3], $0x80, v2, vm1, $0xb8;
	[tilespmem:$0x12200] =	vst v63  }
0x146: {  	s25 =	simm.s32 $0xE200  }
0x147: {  	[tilespmem:s25], [sflag:$0x7] =	stream.indirect_vreg.gather [hbm4b:s5+s3], $0x80, v2, vm1, $0xb8;
	[tilespmem:$0x12200] =	vst v63  }
0x148: {  	s26 =	simm.s32 $0xEA00  }
0x149: {  	[tilespmem:s26], [sflag:$0x7] =	stream.indirect_vreg.gather [hbm4b:s6+s3], $0x80, v2, vm1, $0xb8;
	[tilespmem:$0x12200] =	vst v63  }
0x14a: {  	s26 =	simm.s32 $0xF200  }
0x14b: {  	[tilespmem:s26], [sflag:$0x7] =	stream.indirect_vreg.gather [hbm4b:s7+s3], $0x80, v2, vm1, $0xb8;
	[tilespmem:$0x12200] =	vst v63  }
0x14c: {  	s28 =	simm.s32 $0x8;
	s26 =	simm.s32 $0xFA00  }
0x14d: {  	[tilespmem:s26], [sflag:$0x7] =	stream.indirect_vreg.gather [hbm4b:s8+s3], $0x80, v2, vm0, $0xb8;
	[tilespmem:$0x12200] =	vst v63  }
0x14e: {  	_ =	swait.ge [sflag:s28], $0x2400  }
0x14f: {  	s26 =	rddreg [dreg:$0xb];
	[sflag:s28] =	ssyncset.done $0x0  }
0x150: {  	s30 =	simm.s32 $0xFE00;
	[sflag:s28] =	ssyncadd.s32 $0xFFFFDC00;
	s26 =	sadd.s32 s21, s26  }
0x151: {  	[hbm4b:s26+s3] =	stream.linear.scatter [tilespmem:s30], [sflag:$0x10], $0x2400, $0x38;
	[tilespmem:$0x12200] =	vst v63  }
0x152: {  	s26 =	simm.s32 $0x10  }
0x153: {  	_ =	swait.ge [sflag:s26], $0x2400  }
0x154: {  	[sflag:s26] =	ssyncset.done $0x0  }
0x155: {  	[sflag:s26] =	ssyncadd.s32 $0xFFFFDC00  }
0x156: {  	v2 =	vld.msk [tilespmem:s12+$0x0], $0xff;
	_ =	sdelay $0x4  }
0x157: {  	v3 =	vshrl.u32 v2, $0x3  }
0x158: {  	v3 =	vmul.u32 $0x48, v3  }
0x159: {  	v2 =	vand.u32 $0x7, v2  }
0x15a: {  	v2 =	vor.u32 v2, v3  }
0x15b: {  	v2 =	vperm.xlane v2, v0;
	_ =	sdelay $0x1  }
0x15c: {  	v2 =	vadd.s32 v1, v2;
	_ =	sdelay $0x3  }
0x15d: {  	s29 =	simm.s32 $0x4A00  }
0x15e: {  	[tilespmem:s30], [sflag:$0x8] =	stream.indirect_vreg.gather [hbm4b:s1+s3], $0x80, v2, vm1, $0xb8;
	[tilespmem:$0x12200] =	vst v63  }
0x15f: {  	p0 =	sne.s32 s21, $0xD800;
	s0 =	simm.s32 $0x200;
	s30 =	simm.s32 $0x10600  }
0x160: {  	[tilespmem:s30], [sflag:$0x8] =	stream.indirect_vreg.gather [hbm4b:s5+s3], $0x80, v2, vm1, $0xb8;
	[tilespmem:$0x12200] =	vst v63  }
0x161: {  	s13 =	simm.s32 $0x6E00;
	s14 =	simm.s32 $0x2600;
	s26 =	simm.s32 $0x10E00  }
0x162: {  	[tilespmem:s26], [sflag:$0x8] =	stream.indirect_vreg.gather [hbm4b:s6+s3], $0x80, v2, vm1, $0xb8;
	[tilespmem:$0x12200] =	vst v63  }
.Ltmp0:
0x163: {  	s16 =	simm.s32 $0x9200;
	s20 =	simm.s32 $0xB600;
	(pc) =	sbr.rel @p0 .LBB2_2-.Ltmp0, $4  }
0x164: {  	s24 =	simm.s32 $0xDA00;
	s28 =	simm.s32 $0xFE00;
	s26 =	simm.s32 $0x11600  }
0x165: {  	[tilespmem:s26], [sflag:$0x8] =	stream.indirect_vreg.gather [hbm4b:s7+s3], $0x80, v2, vm1, $0xb8;
	[tilespmem:$0x12200] =	vst v63  }
0x166: {  	s21 =	sadd.s32 $0x2400, s21;
	s12 =	sadd.s32 $0x40, s12;
	s26 =	simm.s32 $0x11E00  }
0x167: {  	[tilespmem:s26], [sflag:$0x8] =	stream.indirect_vreg.gather [hbm4b:s8+s3], $0x80, v2, vm0, $0xb8;
	[tilespmem:$0x12200] =	vst v63  }
0x168: {  	_ =	swait.ge [sflag:s31], $0x2400  }
0x169: {  	[sflag:s31] =	ssyncset.done $0x0  }
0x16a: {  	s12 =	rddreg [dreg:$0xd];
	[sflag:s31] =	ssyncadd.s32 $0xFFFFDC00  }
0x16b: {  	[hbm4b:s12+s3] =	stream.linear.scatter [tilespmem:s0], [sflag:$0x9], $0x2400, $0x38;
	[tilespmem:$0x12200] =	vst v63  }
0x16c: {  	_ =	swait.ge [sflag:s18], $0x2400  }
0x16d: {  	[sflag:s18] =	ssyncset.done $0x0  }
0x16e: {  	s26 =	rddreg [dreg:$0xe];
	[sflag:s18] =	ssyncadd.s32 $0xFFFFDC00  }
0x16f: {  	[hbm4b:s26+s3] =	stream.linear.scatter [tilespmem:s14], [sflag:$0xA], $0x2400, $0x38;
	[tilespmem:$0x12200] =	vst v63  }
0x170: {  	_ =	swait.ge [sflag:s10], $0x2400  }
0x171: {  	[sflag:s10] =	ssyncset.done $0x0  }
0x172: {  	s21 =	rddreg [dreg:$0xf];
	[sflag:s10] =	ssyncadd.s32 $0xFFFFDC00  }
0x173: {  	[hbm4b:s21+s3] =	stream.linear.scatter [tilespmem:s29], [sflag:$0xB], $0x2400, $0x38;
	[tilespmem:$0x12200] =	vst v63  }
0x174: {  	_ =	swait.ge [sflag:s11], $0x2400  }
0x175: {  	[sflag:s11] =	ssyncset.done $0x0  }
0x176: {  	s26 =	rddreg [dreg:$0x10];
	[sflag:s11] =	ssyncadd.s32 $0xFFFFDC00  }
0x177: {  	[hbm4b:s26+s3] =	stream.linear.scatter [tilespmem:s13], [sflag:$0xC], $0x2400, $0x38;
	[tilespmem:$0x12200] =	vst v63  }
0x178: {  	_ =	swait.ge [sflag:s4], $0x2400  }
0x179: {  	[sflag:s4] =	ssyncset.done $0x0  }
0x17a: {  	[sflag:s4] =	ssyncadd.s32 $0xFFFFDC00;
	s4 =	rddreg [dreg:$0x11]  }
0x17b: {  	[hbm4b:s4+s3] =	stream.linear.scatter [tilespmem:s16], [sflag:$0xD], $0x2400, $0x38;
	[tilespmem:$0x12200] =	vst v63  }
0x17c: {  	_ =	swait.ge [sflag:s2], $0x2400  }
0x17d: {  	[sflag:s2] =	ssyncset.done $0x0  }
0x17e: {  	s26 =	simm.s32 $0x7;
	s21 =	rddreg [dreg:$0x12];
	[sflag:s2] =	ssyncadd.s32 $0xFFFFDC00  }
0x17f: {  	[hbm4b:s21+s3] =	stream.linear.scatter [tilespmem:s20], [sflag:$0xE], $0x2400, $0x38;
	[tilespmem:$0x12200] =	vst v63  }
0x180: {  	_ =	swait.ge [sflag:s26], $0x2400  }
0x181: {  	[sflag:s26] =	ssyncset.done $0x0  }
0x182: {  	s12 =	simm.s32 $0x8;
	s4 =	rddreg [dreg:$0x13];
	[sflag:s26] =	ssyncadd.s32 $0xFFFFDC00  }
0x183: {  	[hbm4b:s4+s3] =	stream.linear.scatter [tilespmem:s24], [sflag:$0xF], $0x2400, $0x38;
	[tilespmem:$0x12200] =	vst v63  }
0x184: {  	_ =	swait.ge [sflag:s12], $0x2400  }
0x185: {  	[sflag:s12] =	ssyncset.done $0x0  }
0x186: {  	s26 =	simm.s32 $0x9;
	s21 =	rddreg [dreg:$0x14];
	[sflag:s12] =	ssyncadd.s32 $0xFFFFDC00  }
0x187: {  	[hbm4b:s21+s3] =	stream.linear.scatter [tilespmem:s28], [sflag:$0x10], $0x2400, $0x38;
	[tilespmem:$0x12200] =	vst v63  }
0x188: {  	_ =	swait.ge [sflag:s26], $0x2400  }
0x189: {  	[sflag:s26] =	ssyncset.done $0x0  }
0x18a: {  	s4 =	simm.s32 $0xA;
	[sflag:s26] =	ssyncadd.s32 $0xFFFFDC00  }
0x18b: {  	_ =	swait.ge [sflag:s4], $0x2400  }
0x18c: {  	[sflag:s4] =	ssyncset.done $0x0  }
0x18d: {  	s12 =	simm.s32 $0xB;
	[sflag:s4] =	ssyncadd.s32 $0xFFFFDC00  }
0x18e: {  	_ =	swait.ge [sflag:s12], $0x2400  }
0x18f: {  	[sflag:s12] =	ssyncset.done $0x0  }
0x190: {  	s21 =	simm.s32 $0xC;
	[sflag:s12] =	ssyncadd.s32 $0xFFFFDC00  }
0x191: {  	_ =	swait.ge [sflag:s21], $0x2400  }
0x192: {  	[sflag:s21] =	ssyncset.done $0x0  }
0x193: {  	s26 =	simm.s32 $0xD;
	[sflag:s21] =	ssyncadd.s32 $0xFFFFDC00  }
0x194: {  	_ =	swait.ge [sflag:s26], $0x2400  }
0x195: {  	[sflag:s26] =	ssyncset.done $0x0  }
0x196: {  	s4 =	simm.s32 $0xE;
	[sflag:s26] =	ssyncadd.s32 $0xFFFFDC00  }
0x197: {  	_ =	swait.ge [sflag:s4], $0x2400  }
0x198: {  	[sflag:s4] =	ssyncset.done $0x0  }
0x199: {  	s12 =	simm.s32 $0xF;
	[sflag:s4] =	ssyncadd.s32 $0xFFFFDC00  }
0x19a: {  	_ =	swait.ge [sflag:s12], $0x2400  }
0x19b: {  	[sflag:s12] =	ssyncset.done $0x0  }
0x19c: {  	s4 =	simm.s32 $0x10;
	[sflag:s12] =	ssyncadd.s32 $0xFFFFDC00  }
0x19d: {  	_ =	swait.ge [sflag:s4], $0x2400  }
0x19e: {  	s21 =	rddreg [dreg:$0x16]  }
0x19f: {  	s26 =	rddreg [dreg:$0x15];
	s2 =	sadd.s32 $0x1, s21  }
0x1a0: {  	p0 =	sne.s32 s2, s26  }
.Ltmp1:
0x1a1: {  	_ = 	snop;
	(pc) =	sbr.rel @p0 .LBB2_1-.Ltmp1, $3  }
0x1a2: {  	_ =	sdelay $0x1  }
0x1a3: {  	[sflag:s4] =	ssyncset.done $0x0  }
0x1a4: {  	[sflag:s4] =	ssyncadd.s32 $0xFFFFDC00  }
0x1a5: {  	_ =	sfence.sel $0x180000  }
0x1a6: {  	[bflag:$0x0] =	sbarrier.arrive $0xFFFF  }
0x1a7: {  	_ =	strace $0x90000047  }
0x1a8: {  	s0 =	stileid.u32;
	[bflag:$0x2] =	sbarrier.arrive $0xFFFF  }
0x1a9: {  	p0 =	sne.s32 s0, $0x0;
	s0 =	rddreg [dreg:$0x3]  }
0x1aa: {  	s0 =	sadd.s32 @!p0 $0x100000, s0  }
0x1ab: {  	[sflag:s0] =	ssyncadd.tile.s32 @!p0 $0x1;
	_ =	shalt  }
.Lfunc_end2:
_tile_overlayer_lowered:
.L_overlay_start_2:
0x1ac: {  	(tag) =	ssettag $0x2  }
0x1ad: {  	s0 =	rddreg [dreg:$0x0];
	s2 =	stileid.u32  }
0x1ae: {  	s1 =	rddreg [dreg:$0x1];
	p0 =	sne.s32 s2, $0x0  }
0x1af: {  	s3 =	rddreg [dreg:$0x2];
	[bflag:$0x3] =	sbarrier.arrive $0xFFFF;
	s2 =	simm.s32 @!p0 $0x1C11  }
0x1b0: {  	[timem:s3], [sflag:s2] =	dma.local @!p0 [hbm:s0], s1  }
0x1b1: {  	s0 =	simm.s32 @!p0 $0x11  }
0x1b2: {  	_ =	swait.ge @!p0 [sflag:s0], s1  }
0x1b3: {  	s1 =	ssub.s32 @!p0 $0x0, s1;
	[sflag:s0] =	ssyncset.done @!p0 $0x0  }
0x1b4: {  	[sflag:s0] =	ssyncadd.s32 @!p0 s1  }
0x1b5: {  	[bflag:$0x3] =	sbarrier.arrive $0xFFFF  }
0x1b6: {  	_ =	shalt  }

</sc_bundles>
